<compile_context>
chip_gen: v7x
topology: tpu7x:2x2x1
jax: 0.10.2.dev20260603
libtpu: 0.0.44.dev20260713+nightly
codegen_flags: <defaults>
</compile_context>

<pallas_src>
import functools

import jax
import jax.numpy as jnp
from jax import lax
from jax.experimental import pallas as pl
from jax.experimental.pallas import tpu as pltpu
from jax.experimental.pallas import tpu_sc as plsc

NS = 16
L = 16
NCK = 5


def _zmat_body(C, x_ref, w_ref, wp_ref, b_ref, bp_ref, z_ref, c_ref):
    g = pl.program_id(0)
    wv = jnp.dot(w_ref[...], wp_ref[...],
                 preferred_element_type=jnp.float32) * (1.0 / C)
    xs = x_ref[:, 0, :]
    for c in range(1, C):
        xs = xs + x_ref[:, c, :]
    z_ref[...] = jnp.dot(xs, wv, preferred_element_type=jnp.float32)

    @pl.when(g == 0)
    def _():
        c1 = jnp.dot(b_ref[...], wv,
                     preferred_element_type=jnp.float32) * C + bp_ref[...]
        c_ref[...] = jnp.dot(c1, jnp.ones((1, L), jnp.float32),
                             preferred_element_type=jnp.float32)


def _sc_body(C, ei_hbm, ew_hbm, z_hbm, i0_hbm, i1_hbm, c16_hbm, out_hbm,
             src_f, ew_f, msg_f, dst_c, z_v, a_v, buf_v, i0_v, i1_v, o_v, c_v,
             shared_a, sem, ssem):
    cid = lax.axis_index("c")
    sid = lax.axis_index("s")
    ept = src_f.shape[0]
    slc = buf_v.shape[0]
    spt = o_v.shape[0]
    csz = ept // NCK
    ebase = (cid * NS + sid) * ept
    s_total = spt * NS

    zero16 = jnp.zeros((L,), jnp.int32)
    cps = [pltpu.async_copy(ei_hbm.at[0, pl.ds(ebase, ept)], src_f, sem),
           pltpu.async_copy(ew_hbm.at[pl.ds(ebase, ept)], ew_f, sem)]
    cps += [pltpu.async_copy(ei_hbm.at[1, pl.ds(ebase + k * csz, csz)],
                             dst_c[k], sem) for k in range(NCK)]
    cps.append(pltpu.async_copy(z_hbm, z_v.at[pl.ds(0, z_hbm.shape[0])], sem))
    cps.append(pltpu.async_copy(c16_hbm.at[0], c_v, sem))

    @plsc.parallel_loop(0, slc, L, unroll=4)
    def _(i):
        buf_v[pl.ds(i, L)] = jnp.zeros((L,), jnp.float32)

    for cp in cps:
        cp.wait()
    pltpu.sync_copy(buf_v, shared_a.at[pl.ds(sid * slc, slc)])
    plsc.subcore_barrier()

    for k in range(NCK):
        @plsc.parallel_loop(k * csz, (k + 1) * csz, L, unroll=8)
        def _(i):
            s16 = src_f[pl.ds(i, L)]
            w16 = ew_f[pl.ds(i, L)]
            msg_f[pl.ds(i, L)] = plsc.load_gather(z_v, [s16]) * w16

        pltpu.async_copy(msg_f.at[pl.ds(k * csz, csz)],
                         shared_a.at[dst_c[k]], ssem, add=True)

    for k in range(NCK):
        pltpu.make_async_copy(msg_f.at[pl.ds(k * csz, csz)],
                              shared_a.at[dst_c[k]], ssem).wait()
    plsc.subcore_barrier()

    cps = [pltpu.async_copy(i0_hbm.at[pl.ds(sid * spt, spt)], i0_v, sem),
           pltpu.async_copy(i1_hbm.at[pl.ds(sid * spt, spt)], i1_v, sem)]
    pltpu.sync_copy(shared_a, a_v)
    for cp in cps:
        cp.wait()
    cv = c_v[...] * 0.5

    @plsc.parallel_loop(0, spt, L, unroll=4)
    def _(k):
        x0 = i0_v[pl.ds(k, L)]
        x1 = i1_v[pl.ds(k, L)]
        g = plsc.load_gather(a_v, [x0]) + plsc.load_gather(a_v, [x1])
        o_v[pl.ds(k, L)] = g * 0.5 + cv

    pltpu.sync_copy(o_v, out_hbm.at[pl.ds(cid * s_total + sid * spt, spt)])


def kernel(x, edge_index, edge_weight, subG_node, W, b, Wp, bp):
    N, C, D = x.shape
    E = edge_index.shape[1]
    S, K = subG_node.shape
    ept = E // (2 * NS)
    spt = S // NS
    assert (K == 2 and S % (NS * L) == 0 and E == ept * 2 * NS
            and ept % (NCK * L) == 0 and (ept // NCK) % 8 == 0)

    GB = 10
    bn = N // GB
    assert N == GB * bn and bn % 8 == 0
    z2, c16 = pl.pallas_call(
        functools.partial(_zmat_body, C),
        grid=(GB,),
        in_specs=[pl.BlockSpec((bn, C, D), lambda g: (g, 0, 0)),
                  pl.BlockSpec((D, D), lambda g: (0, 0)),
                  pl.BlockSpec((D, 1), lambda g: (0, 0)),
                  pl.BlockSpec((1, D), lambda g: (0, 0)),
                  pl.BlockSpec((1, 1), lambda g: (0, 0))],
        out_specs=(pl.BlockSpec((bn, 1), lambda g: (g, 0)),
                   pl.BlockSpec((1, L), lambda g: (0, 0))),
        out_shape=(jax.ShapeDtypeStruct((N, 1), jnp.float32),
                   jax.ShapeDtypeStruct((1, L), jnp.float32)),
    )(x, W, Wp, b.reshape(1, D), bp.reshape(1, 1))

    npad = -(-N // (NS * L)) * (NS * L)
    slc = npad // NS

    mesh = plsc.VectorSubcoreMesh(core_axis_name="c", subcore_axis_name="s",
                                  num_cores=2, num_subcores=NS)
    sc_params = pltpu.CompilerParams(needs_layout_passes=False,
                                     use_tc_tiling_on_sc=False)

    sc = pl.kernel(
        functools.partial(_sc_body, C),
        out_type=jax.ShapeDtypeStruct((2 * S,), jnp.float32),
        mesh=mesh,
        compiler_params=sc_params,
        scratch_types=[
            pltpu.VMEM((ept,), jnp.int32),
            pltpu.VMEM((ept,), jnp.float32),
            pltpu.VMEM((ept,), jnp.float32),
            [pltpu.VMEM((ept // NCK,), jnp.int32) for _ in range(NCK)],
            pltpu.VMEM((npad,), jnp.float32),
            pltpu.VMEM((npad,), jnp.float32),
            pltpu.VMEM((slc,), jnp.float32),
            pltpu.VMEM((spt,), jnp.int32),
            pltpu.VMEM((spt,), jnp.int32),
            pltpu.VMEM((spt,), jnp.float32),
            pltpu.VMEM((L,), jnp.float32),
            pltpu.VMEM_SHARED((npad,), jnp.float32),
            pltpu.SemaphoreType.DMA,
            pltpu.SemaphoreType.DMA,
        ],
    )
    po = sc(edge_index, edge_weight, z2.reshape(N),
            subG_node[:, 0], subG_node[:, 1], c16)
    return (po[:S] + po[S:]).reshape(S, 1)

# --- scband reference (transcript-rebuilt; emitter-appended) ---
"""Pipeline reference for scband-edge-gnn-1254130450635 (READ-ONLY COPY).

The authoritative reference and input builder live on the scoring server;
editing this copy changes nothing except your own understanding.
"""

import jax, jax.numpy as jnp
import numpy as np

N = 10000
E = 320000
D = 128
C = 2
S = 8192
K = 2


def setup_inputs(seed: int = 0) -> dict:
    key = jax.random.key(seed)
    k1, k2, k3, k4, k5, k6 = jax.random.split(key, 6)
    x = jax.random.normal(k1, (N, C, D), dtype=jnp.float32)
    edge_index = jax.random.randint(k2, (2, E), 0, N, dtype=jnp.int32)
    edge_weight = jax.random.uniform(k3, (E,), dtype=jnp.float32)
    subG_node = jax.random.randint(k4, (S, K), 0, N, dtype=jnp.int32)
    # learned params: conv weight/bias (GCNConv 128->128), pred head Linear(128->1)
    W = jax.random.normal(k5, (D, D), dtype=jnp.float32) / np.sqrt(D)
    b = jnp.zeros((D,), dtype=jnp.float32)
    Wp = jax.random.normal(k6, (D, 1), dtype=jnp.float32) / np.sqrt(D)
    bp = jnp.zeros((1,), dtype=jnp.float32)
    return {"x": x, "edge_index": edge_index, "edge_weight": edge_weight,
            "subG_node": subG_node, "W": W, "b": b, "Wp": Wp, "bp": bp}


def _conv(xs, src, dst, edge_weight, W, b):
    # weighted message passing: gather from src, scale by edge weight, scatter-add to dst
    msgs = xs[src] * edge_weight[:, None]
    agg = jnp.zeros_like(xs).at[dst].add(msgs)
    return agg @ W + b


def reference(x, edge_index, edge_weight, subG_node, W, b, Wp, bp):
    src = edge_index[0]
    dst = edge_index[1]
    # NodeEmb: run conv on each channel slice, stack, mean over channels
    embs = []
    for c in range(x.shape[1]):
        emb_c = _conv(x[:, c, :].reshape(x.shape[0], x.shape[-1]), src, dst, edge_weight, W, b)
        embs.append(emb_c.reshape(emb_c.shape[0], 1, emb_c.shape[-1]))
    emb = jnp.concatenate(embs, axis=1)
    emb = jnp.mean(emb, axis=1)
    # Pool: gather subgraph node embeddings and mean over the node axis
    emb = emb[subG_node]
    emb = jnp.mean(emb, axis=1)
    # preds[0]: Linear(128 -> 1)
    return emb @ Wp + bp

if __name__ == "__main__":
    import jax
    _d = setup_inputs()
    print(jax.jit(kernel)(*tuple(_d.values())))

</pallas_src>

<mosaic_0001>
#map = affine_map<(d0, d1) -> (0, 0)>
#map1 = affine_map<(d0, d1) -> (0)>
module attributes {stable_mosaic.version = 14 : i64} {
  func.func @_sc_body(%arg0: i32, %arg1: i32, %arg2: memref<2x320000xi32, #tpu.memory_space<hbm>>, %arg3: memref<320000xf32, #tpu.memory_space<hbm>>, %arg4: memref<10000xf32, #tpu.memory_space<hbm>>, %arg5: memref<8192xi32, #tpu.memory_space<hbm>>, %arg6: memref<8192xi32, #tpu.memory_space<hbm>>, %arg7: memref<1x16xf32, #tpu.memory_space<hbm>>, %arg8: memref<16384xf32, #tpu.memory_space<hbm>>, %arg9: memref<10000xi32, #tpu.memory_space<vmem>>, %arg10: memref<10000xf32, #tpu.memory_space<vmem>>, %arg11: memref<10000xf32, #tpu.memory_space<vmem>>, %arg12: memref<2000xi32, #tpu.memory_space<vmem>>, %arg13: memref<2000xi32, #tpu.memory_space<vmem>>, %arg14: memref<2000xi32, #tpu.memory_space<vmem>>, %arg15: memref<2000xi32, #tpu.memory_space<vmem>>, %arg16: memref<2000xi32, #tpu.memory_space<vmem>>, %arg17: memref<10240xf32, #tpu.memory_space<vmem>>, %arg18: memref<10240xf32, #tpu.memory_space<vmem>>, %arg19: memref<640xf32, #tpu.memory_space<vmem>>, %arg20: memref<512xi32, #tpu.memory_space<vmem>>, %arg21: memref<512xi32, #tpu.memory_space<vmem>>, %arg22: memref<512xf32, #tpu.memory_space<vmem>>, %arg23: memref<16xf32, #tpu.memory_space<vmem>>, %arg24: memref<10240xf32, #tpu.memory_space<vmem_shared>>, %arg25: memref<!tpu.dma_semaphore, #tpu.memory_space<semaphore_mem>>, %arg26: memref<!tpu.dma_semaphore, #tpu.memory_space<semaphore_mem>>) attributes {dimension_semantics = [#tpu.dimension_semantics<core_parallel>, #tpu.dimension_semantics<subcore_parallel>], iteration_bounds = array<i64: 2, 16>, scalar_prefetch = 0 : i64, scratch_operands = 18 : i64, tpu.core_type = #tpu.core_type<sc_vector_subcore>, window_params = [{transform_indices = #map}, {transform_indices = #map1}, {transform_indices = #map1}, {transform_indices = #map1}, {transform_indices = #map1}, {transform_indices = #map}, {transform_indices = #map1}]} {
    %mul3A = arith.constant 16 : i32
    %mul3A_0 = arith.muli %arg0, %mul3A : i32
    %add3A = arith.addi %mul3A_0, %arg1 : i32
    %mul3A_1 = arith.constant 10000 : i32
    %mul3A_2 = arith.muli %add3A, %mul3A_1 : i32
    %broadcast_in_dim3A = arith.constant 0 : i32
    %broadcast_in_dim3A_3 = vector.broadcast %broadcast_in_dim3A : i32 to vector<16xi32>
    %dma_start3A = arith.constant 0 : i32
    %dma_start3A_4 = tpu.memref_slice %arg2[%dma_start3A, %mul3A_2] : memref<2x320000xi32, #tpu.memory_space<hbm>> -> memref<1x10000xi32, #tpu.memory_space<hbm>>
    %dma_start3A_5 = tpu.memref_squeeze %dma_start3A_4 : memref<1x10000xi32, #tpu.memory_space<hbm>> -> memref<10000xi32, #tpu.memory_space<hbm>>
    %dma_start3A_6 = tpu.memref_slice %arg2[%dma_start3A, %mul3A_2] : memref<2x320000xi32, #tpu.memory_space<hbm>> -> memref<1x10000xi32, #tpu.memory_space<hbm>>
    %dma_start3A_7 = tpu.memref_squeeze %dma_start3A_6 : memref<1x10000xi32, #tpu.memory_space<hbm>> -> memref<10000xi32, #tpu.memory_space<hbm>>
    tpu.enqueue_dma source(%dma_start3A_7 : memref<10000xi32, #tpu.memory_space<hbm>>) target(%arg9 : memref<10000xi32, #tpu.memory_space<vmem>>) target_semaphore(%arg25 : memref<!tpu.dma_semaphore, #tpu.memory_space<semaphore_mem>>)
    %dma_start3A_8 = tpu.memref_slice %arg3[%mul3A_2] : memref<320000xf32, #tpu.memory_space<hbm>> -> memref<10000xf32, #tpu.memory_space<hbm>>
    %dma_start3A_9 = tpu.memref_slice %arg3[%mul3A_2] : memref<320000xf32, #tpu.memory_space<hbm>> -> memref<10000xf32, #tpu.memory_space<hbm>>
    tpu.enqueue_dma source(%dma_start3A_9 : memref<10000xf32, #tpu.memory_space<hbm>>) target(%arg10 : memref<10000xf32, #tpu.memory_space<vmem>>) target_semaphore(%arg25 : memref<!tpu.dma_semaphore, #tpu.memory_space<semaphore_mem>>)
    %add3A_10 = arith.constant 0 : i32
    %add3A_11 = arith.addi %mul3A_2, %add3A_10 : i32
    %dma_start3A_12 = arith.constant 1 : i32
    %dma_start3A_13 = tpu.memref_slice %arg2[%dma_start3A_12, %add3A_11] : memref<2x320000xi32, #tpu.memory_space<hbm>> -> memref<1x2000xi32, #tpu.memory_space<hbm>>
    %dma_start3A_14 = tpu.memref_squeeze %dma_start3A_13 : memref<1x2000xi32, #tpu.memory_space<hbm>> -> memref<2000xi32, #tpu.memory_space<hbm>>
    %dma_start3A_15 = tpu.memref_slice %arg2[%dma_start3A_12, %add3A_11] : memref<2x320000xi32, #tpu.memory_space<hbm>> -> memref<1x2000xi32, #tpu.memory_space<hbm>>
    %dma_start3A_16 = tpu.memref_squeeze %dma_start3A_15 : memref<1x2000xi32, #tpu.memory_space<hbm>> -> memref<2000xi32, #tpu.memory_space<hbm>>
    tpu.enqueue_dma source(%dma_start3A_16 : memref<2000xi32, #tpu.memory_space<hbm>>) target(%arg12 : memref<2000xi32, #tpu.memory_space<vmem>>) target_semaphore(%arg25 : memref<!tpu.dma_semaphore, #tpu.memory_space<semaphore_mem>>)
    %add3A_17 = arith.constant 2000 : i32
    %add3A_18 = arith.addi %mul3A_2, %add3A_17 : i32
    %dma_start3A_19 = arith.constant 1 : i32
    %dma_start3A_20 = tpu.memref_slice %arg2[%dma_start3A_19, %add3A_18] : memref<2x320000xi32, #tpu.memory_space<hbm>> -> memref<1x2000xi32, #tpu.memory_space<hbm>>
    %dma_start3A_21 = tpu.memref_squeeze %dma_start3A_20 : memref<1x2000xi32, #tpu.memory_space<hbm>> -> memref<2000xi32, #tpu.memory_space<hbm>>
    %dma_start3A_22 = tpu.memref_slice %arg2[%dma_start3A_19, %add3A_18] : memref<2x320000xi32, #tpu.memory_space<hbm>> -> memref<1x2000xi32, #tpu.memory_space<hbm>>
    %dma_start3A_23 = tpu.memref_squeeze %dma_start3A_22 : memref<1x2000xi32, #tpu.memory_space<hbm>> -> memref<2000xi32, #tpu.memory_space<hbm>>
    tpu.enqueue_dma source(%dma_start3A_23 : memref<2000xi32, #tpu.memory_space<hbm>>) target(%arg13 : memref<2000xi32, #tpu.memory_space<vmem>>) target_semaphore(%arg25 : memref<!tpu.dma_semaphore, #tpu.memory_space<semaphore_mem>>)
    %add3A_24 = arith.constant 4000 : i32
    %add3A_25 = arith.addi %mul3A_2, %add3A_24 : i32
    %dma_start3A_26 = arith.constant 1 : i32
    %dma_start3A_27 = tpu.memref_slice %arg2[%dma_start3A_26, %add3A_25] : memref<2x320000xi32, #tpu.memory_space<hbm>> -> memref<1x2000xi32, #tpu.memory_space<hbm>>
    %dma_start3A_28 = tpu.memref_squeeze %dma_start3A_27 : memref<1x2000xi32, #tpu.memory_space<hbm>> -> memref<2000xi32, #tpu.memory_space<hbm>>
    %dma_start3A_29 = tpu.memref_slice %arg2[%dma_start3A_26, %add3A_25] : memref<2x320000xi32, #tpu.memory_space<hbm>> -> memref<1x2000xi32, #tpu.memory_space<hbm>>
    %dma_start3A_30 = tpu.memref_squeeze %dma_start3A_29 : memref<1x2000xi32, #tpu.memory_space<hbm>> -> memref<2000xi32, #tpu.memory_space<hbm>>
    tpu.enqueue_dma source(%dma_start3A_30 : memref<2000xi32, #tpu.memory_space<hbm>>) target(%arg14 : memref<2000xi32, #tpu.memory_space<vmem>>) target_semaphore(%arg25 : memref<!tpu.dma_semaphore, #tpu.memory_space<semaphore_mem>>)
    %add3A_31 = arith.constant 6000 : i32
    %add3A_32 = arith.addi %mul3A_2, %add3A_31 : i32
    %dma_start3A_33 = arith.constant 1 : i32
    %dma_start3A_34 = tpu.memref_slice %arg2[%dma_start3A_33, %add3A_32] : memref<2x320000xi32, #tpu.memory_space<hbm>> -> memref<1x2000xi32, #tpu.memory_space<hbm>>
    %dma_start3A_35 = tpu.memref_squeeze %dma_start3A_34 : memref<1x2000xi32, #tpu.memory_space<hbm>> -> memref<2000xi32, #tpu.memory_space<hbm>>
    %dma_start3A_36 = tpu.memref_slice %arg2[%dma_start3A_33, %add3A_32] : memref<2x320000xi32, #tpu.memory_space<hbm>> -> memref<1x2000xi32, #tpu.memory_space<hbm>>
    %dma_start3A_37 = tpu.memref_squeeze %dma_start3A_36 : memref<1x2000xi32, #tpu.memory_space<hbm>> -> memref<2000xi32, #tpu.memory_space<hbm>>
    tpu.enqueue_dma source(%dma_start3A_37 : memref<2000xi32, #tpu.memory_space<hbm>>) target(%arg15 : memref<2000xi32, #tpu.memory_space<vmem>>) target_semaphore(%arg25 : memref<!tpu.dma_semaphore, #tpu.memory_space<semaphore_mem>>)
    %add3A_38 = arith.constant 8000 : i32
    %add3A_39 = arith.addi %mul3A_2, %add3A_38 : i32
    %dma_start3A_40 = arith.constant 1 : i32
    %dma_start3A_41 = tpu.memref_slice %arg2[%dma_start3A_40, %add3A_39] : memref<2x320000xi32, #tpu.memory_space<hbm>> -> memref<1x2000xi32, #tpu.memory_space<hbm>>
    %dma_start3A_42 = tpu.memref_squeeze %dma_start3A_41 : memref<1x2000xi32, #tpu.memory_space<hbm>> -> memref<2000xi32, #tpu.memory_space<hbm>>
    %dma_start3A_43 = tpu.memref_slice %arg2[%dma_start3A_40, %add3A_39] : memref<2x320000xi32, #tpu.memory_space<hbm>> -> memref<1x2000xi32, #tpu.memory_space<hbm>>
    %dma_start3A_44 = tpu.memref_squeeze %dma_start3A_43 : memref<1x2000xi32, #tpu.memory_space<hbm>> -> memref<2000xi32, #tpu.memory_space<hbm>>
    tpu.enqueue_dma source(%dma_start3A_44 : memref<2000xi32, #tpu.memory_space<hbm>>) target(%arg16 : memref<2000xi32, #tpu.memory_space<vmem>>) target_semaphore(%arg25 : memref<!tpu.dma_semaphore, #tpu.memory_space<semaphore_mem>>)
    %dma_start3A_45 = arith.constant 0 : i32
    %dma_start3A_46 = tpu.memref_slice %arg17[%dma_start3A_45] : memref<10240xf32, #tpu.memory_space<vmem>> -> memref<10000xf32, #tpu.memory_space<vmem>>
    %dma_start3A_47 = arith.constant 0 : i32
    %dma_start3A_48 = tpu.memref_slice %arg17[%dma_start3A_47] : memref<10240xf32, #tpu.memory_space<vmem>> -> memref<10000xf32, #tpu.memory_space<vmem>>
    tpu.enqueue_dma source(%arg4 : memref<10000xf32, #tpu.memory_space<hbm>>) target(%dma_start3A_48 : memref<10000xf32, #tpu.memory_space<vmem>>) target_semaphore(%arg25 : memref<!tpu.dma_semaphore, #tpu.memory_space<semaphore_mem>>)
    %dma_start3A_49 = arith.constant 0 : i32
    %dma_start3A_50 = arith.constant 0 : i32
    %dma_start3A_51 = tpu.memref_slice %arg7[%dma_start3A_49, %dma_start3A_50] : memref<1x16xf32, #tpu.memory_space<hbm>> -> memref<1x16xf32, #tpu.memory_space<hbm>>
    %dma_start3A_52 = tpu.memref_squeeze %dma_start3A_51 : memref<1x16xf32, #tpu.memory_space<hbm>> -> memref<16xf32, #tpu.memory_space<hbm>>
    %dma_start3A_53 = arith.constant 0 : i32
    %dma_start3A_54 = tpu.memref_slice %arg7[%dma_start3A_49, %dma_start3A_53] : memref<1x16xf32, #tpu.memory_space<hbm>> -> memref<1x16xf32, #tpu.memory_space<hbm>>
    %dma_start3A_55 = tpu.memref_squeeze %dma_start3A_54 : memref<1x16xf32, #tpu.memory_space<hbm>> -> memref<16xf32, #tpu.memory_space<hbm>>
    tpu.enqueue_dma source(%dma_start3A_55 : memref<16xf32, #tpu.memory_space<hbm>>) target(%arg23 : memref<16xf32, #tpu.memory_space<vmem>>) target_semaphore(%arg25 : memref<!tpu.dma_semaphore, #tpu.memory_space<semaphore_mem>>)
    %parallel_loop3A = arith.constant 0 : i32
    %parallel_loop3A_56 = arith.constant 640 : i32
    %parallel_loop3A_57 = arith.constant 16 : i32
    scf.for %parallel_loop3A_182 = %parallel_loop3A to %parallel_loop3A_56 step %parallel_loop3A_57  : i32 {
      %parallel_loop3A_183 = arith.constant 0.000000e+00 : f32
      %parallel_loop3A_184 = vector.broadcast %parallel_loop3A_183 : f32 to vector<16xf32>
      %parallel_loop3A_185 = arith.index_cast %parallel_loop3A_182 : i32 to index
      %parallel_loop3A_186 = tpu.vector_load %arg19[%parallel_loop3A_185] {strides = array<i32>} : memref<640xf32, #tpu.memory_space<vmem>>, vector<16xf32>,
      tpu.vector_store %arg19[%parallel_loop3A_185], %parallel_loop3A_184 {strides = array<i32>} : memref<640xf32, #tpu.memory_space<vmem>>, vector<16xf32>,
    } {sc.loop_unroll_factor = 4 : i64, sc.parallel_access}
    %dma_wait3A = arith.constant 0 : i32
    %dma_wait3A_58 = tpu.memref_slice %arg2[%dma_wait3A, %mul3A_2] : memref<2x320000xi32, #tpu.memory_space<hbm>> -> memref<1x10000xi32, #tpu.memory_space<hbm>>
    %dma_wait3A_59 = tpu.memref_squeeze %dma_wait3A_58 : memref<1x10000xi32, #tpu.memory_space<hbm>> -> memref<10000xi32, #tpu.memory_space<hbm>>
    %dma_wait3A_60 = tpu.memref_slice %arg2[%dma_wait3A, %mul3A_2] : memref<2x320000xi32, #tpu.memory_space<hbm>> -> memref<1x10000xi32, #tpu.memory_space<hbm>>
    %dma_wait3A_61 = tpu.memref_squeeze %dma_wait3A_60 : memref<1x10000xi32, #tpu.memory_space<hbm>> -> memref<10000xi32, #tpu.memory_space<hbm>>
    tpu.wait_dma2 semaphore(%arg25 : memref<!tpu.dma_semaphore, #tpu.memory_space<semaphore_mem>>) src(%dma_wait3A_61 : memref<10000xi32, #tpu.memory_space<hbm>>) dst(%arg9 : memref<10000xi32, #tpu.memory_space<vmem>>)
    %dma_wait3A_62 = tpu.memref_slice %arg3[%mul3A_2] : memref<320000xf32, #tpu.memory_space<hbm>> -> memref<10000xf32, #tpu.memory_space<hbm>>
    %dma_wait3A_63 = tpu.memref_slice %arg3[%mul3A_2] : memref<320000xf32, #tpu.memory_space<hbm>> -> memref<10000xf32, #tpu.memory_space<hbm>>
    tpu.wait_dma2 semaphore(%arg25 : memref<!tpu.dma_semaphore, #tpu.memory_space<semaphore_mem>>) src(%dma_wait3A_63 : memref<10000xf32, #tpu.memory_space<hbm>>) dst(%arg10 : memref<10000xf32, #tpu.memory_space<vmem>>)
    %dma_wait3A_64 = arith.constant 1 : i32
    %dma_wait3A_65 = tpu.memref_slice %arg2[%dma_wait3A_64, %add3A_11] : memref<2x320000xi32, #tpu.memory_space<hbm>> -> memref<1x2000xi32, #tpu.memory_space<hbm>>
    %dma_wait3A_66 = tpu.memref_squeeze %dma_wait3A_65 : memref<1x2000xi32, #tpu.memory_space<hbm>> -> memref<2000xi32, #tpu.memory_space<hbm>>
    %dma_wait3A_67 = tpu.memref_slice %arg2[%dma_wait3A_64, %add3A_11] : memref<2x320000xi32, #tpu.memory_space<hbm>> -> memref<1x2000xi32, #tpu.memory_space<hbm>>
    %dma_wait3A_68 = tpu.memref_squeeze %dma_wait3A_67 : memref<1x2000xi32, #tpu.memory_space<hbm>> -> memref<2000xi32, #tpu.memory_space<hbm>>
    tpu.wait_dma2 semaphore(%arg25 : memref<!tpu.dma_semaphore, #tpu.memory_space<semaphore_mem>>) src(%dma_wait3A_68 : memref<2000xi32, #tpu.memory_space<hbm>>) dst(%arg12 : memref<2000xi32, #tpu.memory_space<vmem>>)
    %dma_wait3A_69 = arith.constant 1 : i32
    %dma_wait3A_70 = tpu.memref_slice %arg2[%dma_wait3A_69, %add3A_18] : memref<2x320000xi32, #tpu.memory_space<hbm>> -> memref<1x2000xi32, #tpu.memory_space<hbm>>
    %dma_wait3A_71 = tpu.memref_squeeze %dma_wait3A_70 : memref<1x2000xi32, #tpu.memory_space<hbm>> -> memref<2000xi32, #tpu.memory_space<hbm>>
    %dma_wait3A_72 = tpu.memref_slice %arg2[%dma_wait3A_69, %add3A_18] : memref<2x320000xi32, #tpu.memory_space<hbm>> -> memref<1x2000xi32, #tpu.memory_space<hbm>>
    %dma_wait3A_73 = tpu.memref_squeeze %dma_wait3A_72 : memref<1x2000xi32, #tpu.memory_space<hbm>> -> memref<2000xi32, #tpu.memory_space<hbm>>
    tpu.wait_dma2 semaphore(%arg25 : memref<!tpu.dma_semaphore, #tpu.memory_space<semaphore_mem>>) src(%dma_wait3A_73 : memref<2000xi32, #tpu.memory_space<hbm>>) dst(%arg13 : memref<2000xi32, #tpu.memory_space<vmem>>)
    %dma_wait3A_74 = arith.constant 1 : i32
    %dma_wait3A_75 = tpu.memref_slice %arg2[%dma_wait3A_74, %add3A_25] : memref<2x320000xi32, #tpu.memory_space<hbm>> -> memref<1x2000xi32, #tpu.memory_space<hbm>>
    %dma_wait3A_76 = tpu.memref_squeeze %dma_wait3A_75 : memref<1x2000xi32, #tpu.memory_space<hbm>> -> memref<2000xi32, #tpu.memory_space<hbm>>
    %dma_wait3A_77 = tpu.memref_slice %arg2[%dma_wait3A_74, %add3A_25] : memref<2x320000xi32, #tpu.memory_space<hbm>> -> memref<1x2000xi32, #tpu.memory_space<hbm>>
    %dma_wait3A_78 = tpu.memref_squeeze %dma_wait3A_77 : memref<1x2000xi32, #tpu.memory_space<hbm>> -> memref<2000xi32, #tpu.memory_space<hbm>>
    tpu.wait_dma2 semaphore(%arg25 : memref<!tpu.dma_semaphore, #tpu.memory_space<semaphore_mem>>) src(%dma_wait3A_78 : memref<2000xi32, #tpu.memory_space<hbm>>) dst(%arg14 : memref<2000xi32, #tpu.memory_space<vmem>>)
    %dma_wait3A_79 = arith.constant 1 : i32
    %dma_wait3A_80 = tpu.memref_slice %arg2[%dma_wait3A_79, %add3A_32] : memref<2x320000xi32, #tpu.memory_space<hbm>> -> memref<1x2000xi32, #tpu.memory_space<hbm>>
    %dma_wait3A_81 = tpu.memref_squeeze %dma_wait3A_80 : memref<1x2000xi32, #tpu.memory_space<hbm>> -> memref<2000xi32, #tpu.memory_space<hbm>>
    %dma_wait3A_82 = tpu.memref_slice %arg2[%dma_wait3A_79, %add3A_32] : memref<2x320000xi32, #tpu.memory_space<hbm>> -> memref<1x2000xi32, #tpu.memory_space<hbm>>
    %dma_wait3A_83 = tpu.memref_squeeze %dma_wait3A_82 : memref<1x2000xi32, #tpu.memory_space<hbm>> -> memref<2000xi32, #tpu.memory_space<hbm>>
    tpu.wait_dma2 semaphore(%arg25 : memref<!tpu.dma_semaphore, #tpu.memory_space<semaphore_mem>>) src(%dma_wait3A_83 : memref<2000xi32, #tpu.memory_space<hbm>>) dst(%arg15 : memref<2000xi32, #tpu.memory_space<vmem>>)
    %dma_wait3A_84 = arith.constant 1 : i32
    %dma_wait3A_85 = tpu.memref_slice %arg2[%dma_wait3A_84, %add3A_39] : memref<2x320000xi32, #tpu.memory_space<hbm>> -> memref<1x2000xi32, #tpu.memory_space<hbm>>
    %dma_wait3A_86 = tpu.memref_squeeze %dma_wait3A_85 : memref<1x2000xi32, #tpu.memory_space<hbm>> -> memref<2000xi32, #tpu.memory_space<hbm>>
    %dma_wait3A_87 = tpu.memref_slice %arg2[%dma_wait3A_84, %add3A_39] : memref<2x320000xi32, #tpu.memory_space<hbm>> -> memref<1x2000xi32, #tpu.memory_space<hbm>>
    %dma_wait3A_88 = tpu.memref_squeeze %dma_wait3A_87 : memref<1x2000xi32, #tpu.memory_space<hbm>> -> memref<2000xi32, #tpu.memory_space<hbm>>
    tpu.wait_dma2 semaphore(%arg25 : memref<!tpu.dma_semaphore, #tpu.memory_space<semaphore_mem>>) src(%dma_wait3A_88 : memref<2000xi32, #tpu.memory_space<hbm>>) dst(%arg16 : memref<2000xi32, #tpu.memory_space<vmem>>)
    %dma_wait3A_89 = arith.constant 0 : i32
    %dma_wait3A_90 = tpu.memref_slice %arg17[%dma_wait3A_89] : memref<10240xf32, #tpu.memory_space<vmem>> -> memref<10000xf32, #tpu.memory_space<vmem>>
    %dma_wait3A_91 = arith.constant 0 : i32
    %dma_wait3A_92 = tpu.memref_slice %arg17[%dma_wait3A_91] : memref<10240xf32, #tpu.memory_space<vmem>> -> memref<10000xf32, #tpu.memory_space<vmem>>
    tpu.wait_dma2 semaphore(%arg25 : memref<!tpu.dma_semaphore, #tpu.memory_space<semaphore_mem>>) src(%arg4 : memref<10000xf32, #tpu.memory_space<hbm>>) dst(%dma_wait3A_92 : memref<10000xf32, #tpu.memory_space<vmem>>)
    %dma_wait3A_93 = arith.constant 0 : i32
    %dma_wait3A_94 = arith.constant 0 : i32
    %dma_wait3A_95 = tpu.memref_slice %arg7[%dma_wait3A_93, %dma_wait3A_94] : memref<1x16xf32, #tpu.memory_space<hbm>> -> memref<1x16xf32, #tpu.memory_space<hbm>>
    %dma_wait3A_96 = tpu.memref_squeeze %dma_wait3A_95 : memref<1x16xf32, #tpu.memory_space<hbm>> -> memref<16xf32, #tpu.memory_space<hbm>>
    %dma_wait3A_97 = arith.constant 0 : i32
    %dma_wait3A_98 = tpu.memref_slice %arg7[%dma_wait3A_93, %dma_wait3A_97] : memref<1x16xf32, #tpu.memory_space<hbm>> -> memref<1x16xf32, #tpu.memory_space<hbm>>
    %dma_wait3A_99 = tpu.memref_squeeze %dma_wait3A_98 : memref<1x16xf32, #tpu.memory_space<hbm>> -> memref<16xf32, #tpu.memory_space<hbm>>
    tpu.wait_dma2 semaphore(%arg25 : memref<!tpu.dma_semaphore, #tpu.memory_space<semaphore_mem>>) src(%dma_wait3A_99 : memref<16xf32, #tpu.memory_space<hbm>>) dst(%arg23 : memref<16xf32, #tpu.memory_space<vmem>>)
    %mul3A_100 = arith.constant 640 : i32
    %mul3A_101 = arith.muli %arg1, %mul3A_100 : i32
    "tpu.region"() ({
      %run_scoped3A = tpu.sem_alloc : memref<!tpu.dma_semaphore, #tpu.memory_space<semaphore_mem>>
      %dma_start3A_182 = tpu.memref_slice %arg24[%mul3A_101] : memref<10240xf32, #tpu.memory_space<vmem_shared>> -> memref<640xf32, #tpu.memory_space<vmem_shared>>
      %dma_start3A_183 = tpu.memref_slice %arg24[%mul3A_101] : memref<10240xf32, #tpu.memory_space<vmem_shared>> -> memref<640xf32, #tpu.memory_space<vmem_shared>>
      tpu.enqueue_dma source(%arg19 : memref<640xf32, #tpu.memory_space<vmem>>) target(%dma_start3A_183 : memref<640xf32, #tpu.memory_space<vmem_shared>>) target_semaphore(%run_scoped3A : memref<!tpu.dma_semaphore, #tpu.memory_space<semaphore_mem>>)
      %dma_wait3A_184 = tpu.memref_slice %arg24[%mul3A_101] : memref<10240xf32, #tpu.memory_space<vmem_shared>> -> memref<640xf32, #tpu.memory_space<vmem_shared>>
      %dma_wait3A_185 = tpu.memref_slice %arg24[%mul3A_101] : memref<10240xf32, #tpu.memory_space<vmem_shared>> -> memref<640xf32, #tpu.memory_space<vmem_shared>>
      tpu.wait_dma2 semaphore(%run_scoped3A : memref<!tpu.dma_semaphore, #tpu.memory_space<semaphore_mem>>) src(%arg19 : memref<640xf32, #tpu.memory_space<vmem>>) dst(%dma_wait3A_185 : memref<640xf32, #tpu.memory_space<vmem_shared>>)
      tpu.yield
    }) : () -> ()
    %barrier3A = arith.constant 0 : index
    tpu.barrier barrier_id(%barrier3A)
    %parallel_loop3A_102 = arith.constant 0 : i32
    %parallel_loop3A_103 = arith.constant 2000 : i32
    %parallel_loop3A_104 = arith.constant 16 : i32
    scf.for %parallel_loop3A_182 = %parallel_loop3A_102 to %parallel_loop3A_103 step %parallel_loop3A_104  : i32 {
      %parallel_loop3A_183 = arith.index_cast %parallel_loop3A_182 : i32 to index
      %parallel_loop3A_184 = tpu.vector_load %arg9[%parallel_loop3A_183] {strides = array<i32>} : memref<10000xi32, #tpu.memory_space<vmem>>, vector<16xi32>,
      %parallel_loop3A_185 = arith.index_cast %parallel_loop3A_182 : i32 to index
      %parallel_loop3A_186 = tpu.vector_load %arg10[%parallel_loop3A_185] {strides = array<i32>} : memref<10000xf32, #tpu.memory_space<vmem>>, vector<16xf32>,
      %parallel_loop3A_187 = tpu.vector_load_idx %arg17[%parallel_loop3A_184] : memref<10240xf32, #tpu.memory_space<vmem>>[vector<16xi32>], vector<16xf32>,
      %parallel_loop3A_188 = arith.mulf %parallel_loop3A_187, %parallel_loop3A_186 : vector<16xf32>
      %parallel_loop3A_189 = arith.index_cast %parallel_loop3A_182 : i32 to index
      %parallel_loop3A_190 = tpu.vector_load %arg11[%parallel_loop3A_189] {strides = array<i32>} : memref<10000xf32, #tpu.memory_space<vmem>>, vector<16xf32>,
      tpu.vector_store %arg11[%parallel_loop3A_189], %parallel_loop3A_188 {strides = array<i32>} : memref<10000xf32, #tpu.memory_space<vmem>>, vector<16xf32>,
    } {sc.loop_unroll_factor = 8 : i64, sc.parallel_access}
    %dma_start3A_105 = arith.constant 0 : i32
    %dma_start3A_106 = tpu.memref_slice %arg11[%dma_start3A_105] : memref<10000xf32, #tpu.memory_space<vmem>> -> memref<2000xf32, #tpu.memory_space<vmem>>
    %dma_start3A_107 = arith.constant 0 : i32
    %dma_start3A_108 = tpu.memref_slice %arg24[%dma_start3A_107] : memref<10240xf32, #tpu.memory_space<vmem_shared>> -> memref<10240xf32, #tpu.memory_space<vmem_shared>>
    tpu.enqueue_indirect_dma source(%dma_start3A_106 : memref<2000xf32, #tpu.memory_space<vmem>>) target(%dma_start3A_108 : memref<10240xf32, #tpu.memory_space<vmem_shared>>) offsets(%arg12 : memref<2000xi32, #tpu.memory_space<vmem>>) semaphore(%arg26 : memref<!tpu.dma_semaphore, #tpu.memory_space<semaphore_mem>>) {add = true}
    %parallel_loop3A_109 = arith.constant 2000 : i32
    %parallel_loop3A_110 = arith.constant 4000 : i32
    %parallel_loop3A_111 = arith.constant 16 : i32
    scf.for %parallel_loop3A_182 = %parallel_loop3A_109 to %parallel_loop3A_110 step %parallel_loop3A_111  : i32 {
      %parallel_loop3A_183 = arith.index_cast %parallel_loop3A_182 : i32 to index
      %parallel_loop3A_184 = tpu.vector_load %arg9[%parallel_loop3A_183] {strides = array<i32>} : memref<10000xi32, #tpu.memory_space<vmem>>, vector<16xi32>,
      %parallel_loop3A_185 = arith.index_cast %parallel_loop3A_182 : i32 to index
      %parallel_loop3A_186 = tpu.vector_load %arg10[%parallel_loop3A_185] {strides = array<i32>} : memref<10000xf32, #tpu.memory_space<vmem>>, vector<16xf32>,
      %parallel_loop3A_187 = tpu.vector_load_idx %arg17[%parallel_loop3A_184] : memref<10240xf32, #tpu.memory_space<vmem>>[vector<16xi32>], vector<16xf32>,
      %parallel_loop3A_188 = arith.mulf %parallel_loop3A_187, %parallel_loop3A_186 : vector<16xf32>
      %parallel_loop3A_189 = arith.index_cast %parallel_loop3A_182 : i32 to index
      %parallel_loop3A_190 = tpu.vector_load %arg11[%parallel_loop3A_189] {strides = array<i32>} : memref<10000xf32, #tpu.memory_space<vmem>>, vector<16xf32>,
      tpu.vector_store %arg11[%parallel_loop3A_189], %parallel_loop3A_188 {strides = array<i32>} : memref<10000xf32, #tpu.memory_space<vmem>>, vector<16xf32>,
    } {sc.loop_unroll_factor = 8 : i64, sc.parallel_access}
    %dma_start3A_112 = arith.constant 2000 : i32
    %dma_start3A_113 = tpu.memref_slice %arg11[%dma_start3A_112] : memref<10000xf32, #tpu.memory_space<vmem>> -> memref<2000xf32, #tpu.memory_space<vmem>>
    %dma_start3A_114 = arith.constant 0 : i32
    %dma_start3A_115 = tpu.memref_slice %arg24[%dma_start3A_114] : memref<10240xf32, #tpu.memory_space<vmem_shared>> -> memref<10240xf32, #tpu.memory_space<vmem_shared>>
    tpu.enqueue_indirect_dma source(%dma_start3A_113 : memref<2000xf32, #tpu.memory_space<vmem>>) target(%dma_start3A_115 : memref<10240xf32, #tpu.memory_space<vmem_shared>>) offsets(%arg13 : memref<2000xi32, #tpu.memory_space<vmem>>) semaphore(%arg26 : memref<!tpu.dma_semaphore, #tpu.memory_space<semaphore_mem>>) {add = true}
    %parallel_loop3A_116 = arith.constant 4000 : i32
    %parallel_loop3A_117 = arith.constant 6000 : i32
    %parallel_loop3A_118 = arith.constant 16 : i32
    scf.for %parallel_loop3A_182 = %parallel_loop3A_116 to %parallel_loop3A_117 step %parallel_loop3A_118  : i32 {
      %parallel_loop3A_183 = arith.index_cast %parallel_loop3A_182 : i32 to index
      %parallel_loop3A_184 = tpu.vector_load %arg9[%parallel_loop3A_183] {strides = array<i32>} : memref<10000xi32, #tpu.memory_space<vmem>>, vector<16xi32>,
      %parallel_loop3A_185 = arith.index_cast %parallel_loop3A_182 : i32 to index
      %parallel_loop3A_186 = tpu.vector_load %arg10[%parallel_loop3A_185] {strides = array<i32>} : memref<10000xf32, #tpu.memory_space<vmem>>, vector<16xf32>,
      %parallel_loop3A_187 = tpu.vector_load_idx %arg17[%parallel_loop3A_184] : memref<10240xf32, #tpu.memory_space<vmem>>[vector<16xi32>], vector<16xf32>,
      %parallel_loop3A_188 = arith.mulf %parallel_loop3A_187, %parallel_loop3A_186 : vector<16xf32>
      %parallel_loop3A_189 = arith.index_cast %parallel_loop3A_182 : i32 to index
      %parallel_loop3A_190 = tpu.vector_load %arg11[%parallel_loop3A_189] {strides = array<i32>} : memref<10000xf32, #tpu.memory_space<vmem>>, vector<16xf32>,
      tpu.vector_store %arg11[%parallel_loop3A_189], %parallel_loop3A_188 {strides = array<i32>} : memref<10000xf32, #tpu.memory_space<vmem>>, vector<16xf32>,
    } {sc.loop_unroll_factor = 8 : i64, sc.parallel_access}
    %dma_start3A_119 = arith.constant 4000 : i32
    %dma_start3A_120 = tpu.memref_slice %arg11[%dma_start3A_119] : memref<10000xf32, #tpu.memory_space<vmem>> -> memref<2000xf32, #tpu.memory_space<vmem>>
    %dma_start3A_121 = arith.constant 0 : i32
    %dma_start3A_122 = tpu.memref_slice %arg24[%dma_start3A_121] : memref<10240xf32, #tpu.memory_space<vmem_shared>> -> memref<10240xf32, #tpu.memory_space<vmem_shared>>
    tpu.enqueue_indirect_dma source(%dma_start3A_120 : memref<2000xf32, #tpu.memory_space<vmem>>) target(%dma_start3A_122 : memref<10240xf32, #tpu.memory_space<vmem_shared>>) offsets(%arg14 : memref<2000xi32, #tpu.memory_space<vmem>>) semaphore(%arg26 : memref<!tpu.dma_semaphore, #tpu.memory_space<semaphore_mem>>) {add = true}
    %parallel_loop3A_123 = arith.constant 6000 : i32
    %parallel_loop3A_124 = arith.constant 8000 : i32
    %parallel_loop3A_125 = arith.constant 16 : i32
    scf.for %parallel_loop3A_182 = %parallel_loop3A_123 to %parallel_loop3A_124 step %parallel_loop3A_125  : i32 {
      %parallel_loop3A_183 = arith.index_cast %parallel_loop3A_182 : i32 to index
      %parallel_loop3A_184 = tpu.vector_load %arg9[%parallel_loop3A_183] {strides = array<i32>} : memref<10000xi32, #tpu.memory_space<vmem>>, vector<16xi32>,
      %parallel_loop3A_185 = arith.index_cast %parallel_loop3A_182 : i32 to index
      %parallel_loop3A_186 = tpu.vector_load %arg10[%parallel_loop3A_185] {strides = array<i32>} : memref<10000xf32, #tpu.memory_space<vmem>>, vector<16xf32>,
      %parallel_loop3A_187 = tpu.vector_load_idx %arg17[%parallel_loop3A_184] : memref<10240xf32, #tpu.memory_space<vmem>>[vector<16xi32>], vector<16xf32>,
      %parallel_loop3A_188 = arith.mulf %parallel_loop3A_187, %parallel_loop3A_186 : vector<16xf32>
      %parallel_loop3A_189 = arith.index_cast %parallel_loop3A_182 : i32 to index
      %parallel_loop3A_190 = tpu.vector_load %arg11[%parallel_loop3A_189] {strides = array<i32>} : memref<10000xf32, #tpu.memory_space<vmem>>, vector<16xf32>,
      tpu.vector_store %arg11[%parallel_loop3A_189], %parallel_loop3A_188 {strides = array<i32>} : memref<10000xf32, #tpu.memory_space<vmem>>, vector<16xf32>,
    } {sc.loop_unroll_factor = 8 : i64, sc.parallel_access}
    %dma_start3A_126 = arith.constant 6000 : i32
    %dma_start3A_127 = tpu.memref_slice %arg11[%dma_start3A_126] : memref<10000xf32, #tpu.memory_space<vmem>> -> memref<2000xf32, #tpu.memory_space<vmem>>
    %dma_start3A_128 = arith.constant 0 : i32
    %dma_start3A_129 = tpu.memref_slice %arg24[%dma_start3A_128] : memref<10240xf32, #tpu.memory_space<vmem_shared>> -> memref<10240xf32, #tpu.memory_space<vmem_shared>>
    tpu.enqueue_indirect_dma source(%dma_start3A_127 : memref<2000xf32, #tpu.memory_space<vmem>>) target(%dma_start3A_129 : memref<10240xf32, #tpu.memory_space<vmem_shared>>) offsets(%arg15 : memref<2000xi32, #tpu.memory_space<vmem>>) semaphore(%arg26 : memref<!tpu.dma_semaphore, #tpu.memory_space<semaphore_mem>>) {add = true}
    %parallel_loop3A_130 = arith.constant 8000 : i32
    %parallel_loop3A_131 = arith.constant 10000 : i32
    %parallel_loop3A_132 = arith.constant 16 : i32
    scf.for %parallel_loop3A_182 = %parallel_loop3A_130 to %parallel_loop3A_131 step %parallel_loop3A_132  : i32 {
      %parallel_loop3A_183 = arith.index_cast %parallel_loop3A_182 : i32 to index
      %parallel_loop3A_184 = tpu.vector_load %arg9[%parallel_loop3A_183] {strides = array<i32>} : memref<10000xi32, #tpu.memory_space<vmem>>, vector<16xi32>,
      %parallel_loop3A_185 = arith.index_cast %parallel_loop3A_182 : i32 to index
      %parallel_loop3A_186 = tpu.vector_load %arg10[%parallel_loop3A_185] {strides = array<i32>} : memref<10000xf32, #tpu.memory_space<vmem>>, vector<16xf32>,
      %parallel_loop3A_187 = tpu.vector_load_idx %arg17[%parallel_loop3A_184] : memref<10240xf32, #tpu.memory_space<vmem>>[vector<16xi32>], vector<16xf32>,
      %parallel_loop3A_188 = arith.mulf %parallel_loop3A_187, %parallel_loop3A_186 : vector<16xf32>
      %parallel_loop3A_189 = arith.index_cast %parallel_loop3A_182 : i32 to index
      %parallel_loop3A_190 = tpu.vector_load %arg11[%parallel_loop3A_189] {strides = array<i32>} : memref<10000xf32, #tpu.memory_space<vmem>>, vector<16xf32>,
      tpu.vector_store %arg11[%parallel_loop3A_189], %parallel_loop3A_188 {strides = array<i32>} : memref<10000xf32, #tpu.memory_space<vmem>>, vector<16xf32>,
    } {sc.loop_unroll_factor = 8 : i64, sc.parallel_access}
    %dma_start3A_133 = arith.constant 8000 : i32
    %dma_start3A_134 = tpu.memref_slice %arg11[%dma_start3A_133] : memref<10000xf32, #tpu.memory_space<vmem>> -> memref<2000xf32, #tpu.memory_space<vmem>>
    %dma_start3A_135 = arith.constant 0 : i32
    %dma_start3A_136 = tpu.memref_slice %arg24[%dma_start3A_135] : memref<10240xf32, #tpu.memory_space<vmem_shared>> -> memref<10240xf32, #tpu.memory_space<vmem_shared>>
    tpu.enqueue_indirect_dma source(%dma_start3A_134 : memref<2000xf32, #tpu.memory_space<vmem>>) target(%dma_start3A_136 : memref<10240xf32, #tpu.memory_space<vmem_shared>>) offsets(%arg16 : memref<2000xi32, #tpu.memory_space<vmem>>) semaphore(%arg26 : memref<!tpu.dma_semaphore, #tpu.memory_space<semaphore_mem>>) {add = true}
    %dma_wait3A_137 = arith.constant 0 : i32
    %dma_wait3A_138 = tpu.memref_slice %arg11[%dma_wait3A_137] : memref<10000xf32, #tpu.memory_space<vmem>> -> memref<2000xf32, #tpu.memory_space<vmem>>
    %dma_wait3A_139 = arith.constant 0 : i32
    %dma_wait3A_140 = tpu.memref_slice %arg24[%dma_wait3A_139] : memref<10240xf32, #tpu.memory_space<vmem_shared>> -> memref<10240xf32, #tpu.memory_space<vmem_shared>>
    tpu.wait_indirect_dma semaphore(%arg26 : memref<!tpu.dma_semaphore, #tpu.memory_space<semaphore_mem>>) src(%dma_wait3A_138 : memref<2000xf32, #tpu.memory_space<vmem>>) dst(%dma_wait3A_140 : memref<10240xf32, #tpu.memory_space<vmem_shared>>)
    %dma_wait3A_141 = arith.constant 2000 : i32
    %dma_wait3A_142 = tpu.memref_slice %arg11[%dma_wait3A_141] : memref<10000xf32, #tpu.memory_space<vmem>> -> memref<2000xf32, #tpu.memory_space<vmem>>
    %dma_wait3A_143 = arith.constant 0 : i32
    %dma_wait3A_144 = tpu.memref_slice %arg24[%dma_wait3A_143] : memref<10240xf32, #tpu.memory_space<vmem_shared>> -> memref<10240xf32, #tpu.memory_space<vmem_shared>>
    tpu.wait_indirect_dma semaphore(%arg26 : memref<!tpu.dma_semaphore, #tpu.memory_space<semaphore_mem>>) src(%dma_wait3A_142 : memref<2000xf32, #tpu.memory_space<vmem>>) dst(%dma_wait3A_144 : memref<10240xf32, #tpu.memory_space<vmem_shared>>)
    %dma_wait3A_145 = arith.constant 4000 : i32
    %dma_wait3A_146 = tpu.memref_slice %arg11[%dma_wait3A_145] : memref<10000xf32, #tpu.memory_space<vmem>> -> memref<2000xf32, #tpu.memory_space<vmem>>
    %dma_wait3A_147 = arith.constant 0 : i32
    %dma_wait3A_148 = tpu.memref_slice %arg24[%dma_wait3A_147] : memref<10240xf32, #tpu.memory_space<vmem_shared>> -> memref<10240xf32, #tpu.memory_space<vmem_shared>>
    tpu.wait_indirect_dma semaphore(%arg26 : memref<!tpu.dma_semaphore, #tpu.memory_space<semaphore_mem>>) src(%dma_wait3A_146 : memref<2000xf32, #tpu.memory_space<vmem>>) dst(%dma_wait3A_148 : memref<10240xf32, #tpu.memory_space<vmem_shared>>)
    %dma_wait3A_149 = arith.constant 6000 : i32
    %dma_wait3A_150 = tpu.memref_slice %arg11[%dma_wait3A_149] : memref<10000xf32, #tpu.memory_space<vmem>> -> memref<2000xf32, #tpu.memory_space<vmem>>
    %dma_wait3A_151 = arith.constant 0 : i32
    %dma_wait3A_152 = tpu.memref_slice %arg24[%dma_wait3A_151] : memref<10240xf32, #tpu.memory_space<vmem_shared>> -> memref<10240xf32, #tpu.memory_space<vmem_shared>>
    tpu.wait_indirect_dma semaphore(%arg26 : memref<!tpu.dma_semaphore, #tpu.memory_space<semaphore_mem>>) src(%dma_wait3A_150 : memref<2000xf32, #tpu.memory_space<vmem>>) dst(%dma_wait3A_152 : memref<10240xf32, #tpu.memory_space<vmem_shared>>)
    %dma_wait3A_153 = arith.constant 8000 : i32
    %dma_wait3A_154 = tpu.memref_slice %arg11[%dma_wait3A_153] : memref<10000xf32, #tpu.memory_space<vmem>> -> memref<2000xf32, #tpu.memory_space<vmem>>
    %dma_wait3A_155 = arith.constant 0 : i32
    %dma_wait3A_156 = tpu.memref_slice %arg24[%dma_wait3A_155] : memref<10240xf32, #tpu.memory_space<vmem_shared>> -> memref<10240xf32, #tpu.memory_space<vmem_shared>>
    tpu.wait_indirect_dma semaphore(%arg26 : memref<!tpu.dma_semaphore, #tpu.memory_space<semaphore_mem>>) src(%dma_wait3A_154 : memref<2000xf32, #tpu.memory_space<vmem>>) dst(%dma_wait3A_156 : memref<10240xf32, #tpu.memory_space<vmem_shared>>)
    %barrier3A_157 = arith.constant 0 : index
    tpu.barrier barrier_id(%barrier3A_157)
    %mul3A_158 = arith.constant 512 : i32
    %mul3A_159 = arith.muli %arg1, %mul3A_158 : i32
    %dma_start3A_160 = tpu.memref_slice %arg5[%mul3A_159] : memref<8192xi32, #tpu.memory_space<hbm>> -> memref<512xi32, #tpu.memory_space<hbm>>
    %dma_start3A_161 = tpu.memref_slice %arg5[%mul3A_159] : memref<8192xi32, #tpu.memory_space<hbm>> -> memref<512xi32, #tpu.memory_space<hbm>>
    tpu.enqueue_dma source(%dma_start3A_161 : memref<512xi32, #tpu.memory_space<hbm>>) target(%arg20 : memref<512xi32, #tpu.memory_space<vmem>>) target_semaphore(%arg25 : memref<!tpu.dma_semaphore, #tpu.memory_space<semaphore_mem>>)
    %mul3A_162 = arith.constant 512 : i32
    %mul3A_163 = arith.muli %arg1, %mul3A_162 : i32
    %dma_start3A_164 = tpu.memref_slice %arg6[%mul3A_163] : memref<8192xi32, #tpu.memory_space<hbm>> -> memref<512xi32, #tpu.memory_space<hbm>>
    %dma_start3A_165 = tpu.memref_slice %arg6[%mul3A_163] : memref<8192xi32, #tpu.memory_space<hbm>> -> memref<512xi32, #tpu.memory_space<hbm>>
    tpu.enqueue_dma source(%dma_start3A_165 : memref<512xi32, #tpu.memory_space<hbm>>) target(%arg21 : memref<512xi32, #tpu.memory_space<vmem>>) target_semaphore(%arg25 : memref<!tpu.dma_semaphore, #tpu.memory_space<semaphore_mem>>)
    "tpu.region"() ({
      %run_scoped3A = tpu.sem_alloc : memref<!tpu.dma_semaphore, #tpu.memory_space<semaphore_mem>>
      tpu.enqueue_dma source(%arg24 : memref<10240xf32, #tpu.memory_space<vmem_shared>>) target(%arg18 : memref<10240xf32, #tpu.memory_space<vmem>>) target_semaphore(%run_scoped3A : memref<!tpu.dma_semaphore, #tpu.memory_space<semaphore_mem>>)
      tpu.wait_dma2 semaphore(%run_scoped3A : memref<!tpu.dma_semaphore, #tpu.memory_space<semaphore_mem>>) src(%arg24 : memref<10240xf32, #tpu.memory_space<vmem_shared>>) dst(%arg18 : memref<10240xf32, #tpu.memory_space<vmem>>)
      tpu.yield
    }) : () -> ()
    %dma_wait3A_166 = tpu.memref_slice %arg5[%mul3A_159] : memref<8192xi32, #tpu.memory_space<hbm>> -> memref<512xi32, #tpu.memory_space<hbm>>
    %dma_wait3A_167 = tpu.memref_slice %arg5[%mul3A_159] : memref<8192xi32, #tpu.memory_space<hbm>> -> memref<512xi32, #tpu.memory_space<hbm>>
    tpu.wait_dma2 semaphore(%arg25 : memref<!tpu.dma_semaphore, #tpu.memory_space<semaphore_mem>>) src(%dma_wait3A_167 : memref<512xi32, #tpu.memory_space<hbm>>) dst(%arg20 : memref<512xi32, #tpu.memory_space<vmem>>)
    %dma_wait3A_168 = tpu.memref_slice %arg6[%mul3A_163] : memref<8192xi32, #tpu.memory_space<hbm>> -> memref<512xi32, #tpu.memory_space<hbm>>
    %dma_wait3A_169 = tpu.memref_slice %arg6[%mul3A_163] : memref<8192xi32, #tpu.memory_space<hbm>> -> memref<512xi32, #tpu.memory_space<hbm>>
    tpu.wait_dma2 semaphore(%arg25 : memref<!tpu.dma_semaphore, #tpu.memory_space<semaphore_mem>>) src(%dma_wait3A_169 : memref<512xi32, #tpu.memory_space<hbm>>) dst(%arg21 : memref<512xi32, #tpu.memory_space<vmem>>)
    %get3A = arith.constant 0 : index
    %get3A_170 = tpu.vector_load %arg23[%get3A] {strides = array<i32>} : memref<16xf32, #tpu.memory_space<vmem>>, vector<16xf32>,
    %mul3A_171 = arith.constant 5.000000e-01 : f32
    %mul3A_172 = vector.broadcast %mul3A_171 : f32 to vector<16xf32>
    %mul3A_173 = arith.mulf %get3A_170, %mul3A_172 : vector<16xf32>
    %parallel_loop3A_174 = arith.constant 0 : i32
    %parallel_loop3A_175 = arith.constant 512 : i32
    %parallel_loop3A_176 = arith.constant 16 : i32
    scf.for %parallel_loop3A_182 = %parallel_loop3A_174 to %parallel_loop3A_175 step %parallel_loop3A_176  : i32 {
      %parallel_loop3A_183 = arith.index_cast %parallel_loop3A_182 : i32 to index
      %parallel_loop3A_184 = tpu.vector_load %arg20[%parallel_loop3A_183] {strides = array<i32>} : memref<512xi32, #tpu.memory_space<vmem>>, vector<16xi32>,
      %parallel_loop3A_185 = arith.index_cast %parallel_loop3A_182 : i32 to index
      %parallel_loop3A_186 = tpu.vector_load %arg21[%parallel_loop3A_185] {strides = array<i32>} : memref<512xi32, #tpu.memory_space<vmem>>, vector<16xi32>,
      %parallel_loop3A_187 = tpu.vector_load_idx %arg18[%parallel_loop3A_184] : memref<10240xf32, #tpu.memory_space<vmem>>[vector<16xi32>], vector<16xf32>,
      %parallel_loop3A_188 = tpu.vector_load_idx %arg18[%parallel_loop3A_186] : memref<10240xf32, #tpu.memory_space<vmem>>[vector<16xi32>], vector<16xf32>,
      %parallel_loop3A_189 = arith.addf %parallel_loop3A_187, %parallel_loop3A_188 : vector<16xf32>
      %parallel_loop3A_190 = arith.constant 5.000000e-01 : f32
      %parallel_loop3A_191 = vector.broadcast %parallel_loop3A_190 : f32 to vector<16xf32>
      %parallel_loop3A_192 = arith.mulf %parallel_loop3A_189, %parallel_loop3A_191 : vector<16xf32>
      %parallel_loop3A_193 = arith.addf %parallel_loop3A_192, %mul3A_173 : vector<16xf32>
      %parallel_loop3A_194 = arith.index_cast %parallel_loop3A_182 : i32 to index
      %parallel_loop3A_195 = tpu.vector_load %arg22[%parallel_loop3A_194] {strides = array<i32>} : memref<512xf32, #tpu.memory_space<vmem>>, vector<16xf32>,
      tpu.vector_store %arg22[%parallel_loop3A_194], %parallel_loop3A_193 {strides = array<i32>} : memref<512xf32, #tpu.memory_space<vmem>>, vector<16xf32>,
    } {sc.loop_unroll_factor = 4 : i64, sc.parallel_access}
    %mul3A_177 = arith.constant 8192 : i32
    %mul3A_178 = arith.muli %arg0, %mul3A_177 : i32
    %mul3A_179 = arith.constant 512 : i32
    %mul3A_180 = arith.muli %arg1, %mul3A_179 : i32
    %add3A_181 = arith.addi %mul3A_178, %mul3A_180 : i32
    "tpu.region"() ({
      %run_scoped3A = tpu.sem_alloc : memref<!tpu.dma_semaphore, #tpu.memory_space<semaphore_mem>>
      %dma_start3A_182 = tpu.memref_slice %arg8[%add3A_181] : memref<16384xf32, #tpu.memory_space<hbm>> -> memref<512xf32, #tpu.memory_space<hbm>>
      %dma_start3A_183 = tpu.memref_slice %arg8[%add3A_181] : memref<16384xf32, #tpu.memory_space<hbm>> -> memref<512xf32, #tpu.memory_space<hbm>>
      tpu.enqueue_dma source(%arg22 : memref<512xf32, #tpu.memory_space<vmem>>) target(%dma_start3A_183 : memref<512xf32, #tpu.memory_space<hbm>>) target_semaphore(%run_scoped3A : memref<!tpu.dma_semaphore, #tpu.memory_space<semaphore_mem>>)
      %dma_wait3A_184 = tpu.memref_slice %arg8[%add3A_181] : memref<16384xf32, #tpu.memory_space<hbm>> -> memref<512xf32, #tpu.memory_space<hbm>>
      %dma_wait3A_185 = tpu.memref_slice %arg8[%add3A_181] : memref<16384xf32, #tpu.memory_space<hbm>> -> memref<512xf32, #tpu.memory_space<hbm>>
      tpu.wait_dma2 semaphore(%run_scoped3A : memref<!tpu.dma_semaphore, #tpu.memory_space<semaphore_mem>>) src(%arg22 : memref<512xf32, #tpu.memory_space<vmem>>) dst(%dma_wait3A_185 : memref<512xf32, #tpu.memory_space<hbm>>)
      tpu.yield
    }) : () -> ()
    return
  }
}

module attributes {stable_mosaic.version = 14 : i64} {
  func.func @_zmat_body(%arg0: i32, %arg1: memref<1000x2x128xf32, #tpu.memory_space<vmem>>, %arg2: memref<128x128xf32, #tpu.memory_space<vmem>>, %arg3: memref<128x1xf32, #tpu.memory_space<vmem>>, %arg4: memref<1x128xf32, #tpu.memory_space<vmem>>, %arg5: memref<1x1xf32, #tpu.memory_space<vmem>>, %arg6: memref<1000x1xf32, #tpu.memory_space<vmem>>, %arg7: memref<1x16xf32, #tpu.memory_space<vmem>>) attributes {dimension_semantics = [#tpu.dimension_semantics<arbitrary>], iteration_bounds = array<i64: 10>, scalar_prefetch = 0 : i64, scratch_operands = 0 : i64, tpu.core_type = #tpu.core_type<tc>, window_params = [{transform_indices = @transform_0, window_bounds = array<i64: 1000, 2, 128>}, {pipeline_mode = #tpu.pipeline_mode<synchronous>, transform_indices = @transform_1, window_bounds = array<i64: 128, 128>}, {pipeline_mode = #tpu.pipeline_mode<synchronous>, transform_indices = @transform_2, window_bounds = array<i64: 128, 1>}, {pipeline_mode = #tpu.pipeline_mode<synchronous>, transform_indices = @transform_3, window_bounds = array<i64: 1, 128>}, {pipeline_mode = #tpu.pipeline_mode<synchronous>, transform_indices = @transform_4, window_bounds = array<i64: 1, 1>}, {transform_indices = @transform_5, window_bounds = array<i64: 1000, 1>}, {pipeline_mode = #tpu.pipeline_mode<synchronous>, transform_indices = @transform_6, window_bounds = array<i64: 1, 16>}]} {
    %get3A = arith.constant 0 : index
    %get3A_0 = arith.constant 0 : index
    %get3A_1 = vector.load %arg2[%get3A, %get3A_0] : memref<128x128xf32, #tpu.memory_space<vmem>>, vector<128x128xf32>
    %get3A_2 = arith.constant 0 : index
    %get3A_3 = arith.constant 0 : index
    %get3A_4 = vector.load %arg3[%get3A_2, %get3A_3] : memref<128x1xf32, #tpu.memory_space<vmem>>, vector<128x1xf32>
    %dot_general3A = arith.constant dense<0.000000e+00> : vector<128x1xf32>
    %dot_general3A_5 = tpu.matmul %get3A_1, %get3A_4, %dot_general3A {dimension_numbers = #tpu.dot_dimension_numbers<[1], [0], [0], [1], [0, 0, 1, 1], [], []>, transpose_lhs_hint = false} : vector<128x128xf32>, vector<128x1xf32>, vector<128x1xf32> -> vector<128x1xf32>
    %mul3A = arith.constant 5.000000e-01 : f32
    %mul3A_6 = vector.broadcast %mul3A : f32 to vector<128x1xf32>
    %mul3A_7 = arith.mulf %dot_general3A_5, %mul3A_6 : vector<128x1xf32>
    %get3A_8 = arith.constant 0 : index
    %get3A_9 = arith.constant 0 : index
    %get3A_10 = arith.constant 0 : index
    %get3A_11 = vector.load %arg1[%get3A_8, %get3A_9, %get3A_10] : memref<1000x2x128xf32, #tpu.memory_space<vmem>>, vector<1000x1x128xf32>
    %get3A_12 = vector.shape_cast %get3A_11 : vector<1000x1x128xf32> to vector<1000x128xf32>
    %get3A_13 = arith.constant 0 : index
    %get3A_14 = arith.constant 1 : index
    %get3A_15 = arith.constant 0 : index
    %get3A_16 = vector.load %arg1[%get3A_13, %get3A_14, %get3A_15] : memref<1000x2x128xf32, #tpu.memory_space<vmem>>, vector<1000x1x128xf32>
    %get3A_17 = vector.shape_cast %get3A_16 : vector<1000x1x128xf32> to vector<1000x128xf32>
    %add3A = arith.addf %get3A_12, %get3A_17 : vector<1000x128xf32>
    %dot_general3A_18 = arith.constant dense<0.000000e+00> : vector<1000x1xf32>
    %dot_general3A_19 = tpu.matmul %add3A, %mul3A_7, %dot_general3A_18 {dimension_numbers = #tpu.dot_dimension_numbers<[1], [0], [0], [1], [0, 0, 1, 1], [], []>, transpose_lhs_hint = false} : vector<1000x128xf32>, vector<128x1xf32>, vector<1000x1xf32> -> vector<1000x1xf32>
    %swap3A = arith.constant 0 : index
    %swap3A_20 = arith.constant 0 : index
    %swap3A_21 = vector.load %arg6[%swap3A, %swap3A_20] : memref<1000x1xf32, #tpu.memory_space<vmem>>, vector<1000x1xf32>
    tpu.vector_store %arg6[%swap3A, %swap3A_20], %dot_general3A_19 {strides = array<i32>} : memref<1000x1xf32, #tpu.memory_space<vmem>>, vector<1000x1xf32>,
    %eq3A = arith.constant 0 : i32
    %eq3A_22 = arith.cmpi eq, %arg0, %eq3A : i32
    %convert_element_type3A = arith.extui %eq3A_22 : i1 to i32
    %cond3A = arith.constant 0 : i32
    %cond3A_23 = arith.cmpi ne, %convert_element_type3A, %cond3A : i32
    scf.if %cond3A_23 {
      %get3A_24 = arith.constant 0 : index
      %get3A_25 = arith.constant 0 : index
      %get3A_26 = vector.load %arg4[%get3A_24, %get3A_25] : memref<1x128xf32, #tpu.memory_space<vmem>>, vector<1x128xf32>
      %dot_general3A_27 = arith.constant dense<0.000000e+00> : vector<1x1xf32>
      %dot_general3A_28 = tpu.matmul %get3A_26, %mul3A_7, %dot_general3A_27 {dimension_numbers = #tpu.dot_dimension_numbers<[1], [0], [0], [1], [0, 0, 1, 1], [], []>, transpose_lhs_hint = false} : vector<1x128xf32>, vector<128x1xf32>, vector<1x1xf32> -> vector<1x1xf32>
      %mul3A_29 = arith.constant 2.000000e+00 : f32
      %mul3A_30 = vector.broadcast %mul3A_29 : f32 to vector<1x1xf32>
      %mul3A_31 = arith.mulf %dot_general3A_28, %mul3A_30 : vector<1x1xf32>
      %get3A_32 = arith.constant 0 : index
      %get3A_33 = arith.constant 0 : index
      %get3A_34 = vector.load %arg5[%get3A_32, %get3A_33] : memref<1x1xf32, #tpu.memory_space<vmem>>, vector<1x1xf32>
      %add3A_35 = arith.addf %mul3A_31, %get3A_34 : vector<1x1xf32>
      %broadcast_in_dim3A = arith.constant 1.000000e+00 : f32
      %broadcast_in_dim3A_36 = vector.broadcast %broadcast_in_dim3A : f32 to vector<1x16xf32>
      %dot_general3A_37 = arith.constant dense<0.000000e+00> : vector<1x16xf32>
      %dot_general3A_38 = tpu.matmul %add3A_35, %broadcast_in_dim3A_36, %dot_general3A_37 {dimension_numbers = #tpu.dot_dimension_numbers<[1], [0], [0], [1], [0, 0, 1, 1], [], []>, transpose_lhs_hint = false} : vector<1x1xf32>, vector<1x16xf32>, vector<1x16xf32> -> vector<1x16xf32>
      %swap3A_39 = arith.constant 0 : index
      %swap3A_40 = arith.constant 0 : index
      %swap3A_41 = vector.load %arg7[%swap3A_39, %swap3A_40] : memref<1x16xf32, #tpu.memory_space<vmem>>, vector<1x16xf32>
      tpu.vector_store %arg7[%swap3A_39, %swap3A_40], %dot_general3A_38 {strides = array<i32>} : memref<1x16xf32, #tpu.memory_space<vmem>>, vector<1x16xf32>,
    } else {
    }
    return
  }
  func.func @transform_0(%arg0: i32) -> (i32, i32, i32) {
    %c0_i32 = arith.constant 0 : i32
    %c0_i32_0 = arith.constant 0 : i32
    %c0_i32_1 = arith.constant 0 : i32
    return %arg0, %c0_i32, %c0_i32_0 : i32, i32, i32
  }
  func.func @transform_1(%arg0: i32) -> (i32, i32) {
    %c0_i32 = arith.constant 0 : i32
    %c0_i32_0 = arith.constant 0 : i32
    %c0_i32_1 = arith.constant 0 : i32
    return %c0_i32, %c0_i32_0 : i32, i32
  }
  func.func @transform_2(%arg0: i32) -> (i32, i32) {
    %c0_i32 = arith.constant 0 : i32
    %c0_i32_0 = arith.constant 0 : i32
    %c0_i32_1 = arith.constant 0 : i32
    return %c0_i32, %c0_i32_0 : i32, i32
  }
  func.func @transform_3(%arg0: i32) -> (i32, i32) {
    %c0_i32 = arith.constant 0 : i32
    %c0_i32_0 = arith.constant 0 : i32
    %c0_i32_1 = arith.constant 0 : i32
    return %c0_i32, %c0_i32_0 : i32, i32
  }
  func.func @transform_4(%arg0: i32) -> (i32, i32) {
    %c0_i32 = arith.constant 0 : i32
    %c0_i32_0 = arith.constant 0 : i32
    %c0_i32_1 = arith.constant 0 : i32
    return %c0_i32, %c0_i32_0 : i32, i32
  }
  func.func @transform_5(%arg0: i32) -> (i32, i32) {
    %c0_i32 = arith.constant 0 : i32
    %c0_i32_0 = arith.constant 0 : i32
    return %arg0, %c0_i32 : i32, i32
  }
  func.func @transform_6(%arg0: i32) -> (i32, i32) {
    %c0_i32 = arith.constant 0 : i32
    %c0_i32_0 = arith.constant 0 : i32
    %c0_i32_1 = arith.constant 0 : i32
    return %c0_i32, %c0_i32_0 : i32, i32
  }
}

</mosaic_0001>

<sc_bundles>
// kernel: kernel.4.cloned.1.call-start
scs
__scs_entry_jumppad:
0x0: {  	(pc) =	sbr.rel $0x88, $3  }
0x1: {  	(tag) =	ssettag $0x0;
	lr =	simm.s32 $0x1  }
0x2: {  	[smem:$0x3F99] =	sst lr;
	_ =	strace $0xD0000000  }
0x3: {  	_ = 	snop  }
0x4: {  	_ = 	snop  }
0x5: {  	_ = 	snop  }
0x6: {  	_ = 	snop  }
0x7: {  	_ = 	snop  }
__scs_overlays_trampoline_lowered:
0x8: {  	[smem:$0x3FA8] =	sst s0  }
0x9: {  	[smem:$0x3FA9] =	sst s1  }
0xa: {  	[smem:$0x3FAA] =	sst s2  }
0xb: {  	[smem:$0x3FAB] =	sst s3  }
0xc: {  	[smem:$0x3FAC] =	sst s4  }
0xd: {  	[smem:$0x3FAD] =	sst s5  }
0xe: {  	[smem:$0x3FAE] =	sst s6  }
0xf: {  	[smem:$0x3FAF] =	sst s7  }
0x10: {  	[smem:$0x3FB0] =	sst s8  }
0x11: {  	[smem:$0x3FB1] =	sst s9;
	s0 =	simm.s32 @!p0 $0x0  }
0x12: {  	s1 =	sld [smem:$0x3F97];
	s0 =	simm.s32 @p0 $0x1  }
0x13: {  	[smem:$0x3FB2] =	sst s0;
	s0 =	simm.s32 @!p1 $0x0  }
0x14: {  	s2 =	sld [smem:$0x3F96];
	s0 =	simm.s32 @p1 $0x1  }
0x15: {  	[smem:$0x3FB3] =	sst s0;
	s0 =	simm.s32 @!p2 $0x0  }
0x16: {  	s3 =	sld [smem:$0x3FDB];
	s0 =	simm.s32 @p2 $0x1  }
0x17: {  	s4 =	simm.s32 $0x1BF5;
	[smem:$0x3FB5] =	sst s0  }
0x18: {  	s0 =	sld [smem:$0x3F98];
	_ =	swait.ge [sflag:s4], $0x0  }
0x19: {  	s7 =	sld [smem:$0x3F99]  }
0x1a: {  	s8 =	sadd.s32 $0xFFFFE003, lr  }
0x1b: {  	s9 =	sadd.s32 $0xFFFFFEF7, lr;
	s5 =	simm.s32 $0xFFFFFFFF;
	p2 =	slt.u32 s8, $0xFFFFF086  }
0x1c: {  	p1 =	slt.u32 s9, $0xF7A;
	s5 =	simm.s32 @!p2 $0x0  }
0x1d: {  	s5 =	simm.s32 @p1 $0x1;
	p0 =	seq.s32 s7, s2  }
0x1e: {  	s7 =	smul.u32 @!p0 $0xF7A, s2;
	p2 =	seq.s32 @!p0 s5, $0x0  }
0x1f: {  	s9 =	smul.u32 $0xF7A, s1;
	s8 =	simm.s32 @!p0 $0x1BF5;
	p2 =	por !p2, p0  }
0x20: {  	[sflag:s8] =	ssyncset.s32 @!p0 $0xFFFFF086;
	s6 =	sadd.s32 @!p0 s3, s7;
	s7 =	simm.s32 @!p0 $0x108  }
0x21: {  	s3 =	sadd.s32 s3, s9;
	s6 =	sadd.s32 @!p0 $0x88, s6;
	s7 =	simm.s32 @p2 $0x1082  }
0x22: {  	[simem:s7], [sflag:s8] =	dma.local @!p0 [hbm:s6], $0xF7A  }
0x23: {  	s9 =	sor.u32 $0xD0000000, s2;
	s6 =	simm.s32 $0x108;
	_ =	swait.ge @!p0 [sflag:s8], $0x0  }
0x24: {  	s3 =	sadd.s32 $0x88, s3;
	s6 =	simm.s32 @!p1 $0x1082;
	[sflag:s4] =	ssyncset.s32 $0xFFFFF086  }
0x25: {  	[simem:s6], [sflag:s4] =	dma.local [hbm:s3], $0xF7A  }
0x26: {  	[smem:$0x3F99] =	sst s1;
	(tag) =	ssettag s2;
	_ =	strace s9  }
0x27: {  	s1 =	sld [smem:$0x3FA9]  }
0x28: {  	s2 =	sld [smem:$0x3FAA]  }
0x29: {  	s4 =	sld [smem:$0x3FAC]  }
0x2a: {  	p0 =	seq.s32 s5, $0x0;
	s5 =	sld [smem:$0x3FAD]  }
0x2b: {  	s6 =	sld [smem:$0x3FAE]  }
0x2c: {  	s7 =	sld [smem:$0x3FAF]  }
0x2d: {  	s3 =	simm.s32 $0x108;
	s8 =	sld [smem:$0x3FB0]  }
0x2e: {  	s3 =	simm.s32 @!p0 $0x1082;
	s9 =	sld [smem:$0x3FB1]  }
0x2f: {  	lr =	sadd.s32 s0, s3;
	s0 =	sld [smem:$0x3FA8]  }
0x30: {  	s3 =	sld [smem:$0x3FAB]  }
0x31: {  	[smem:$0x3FB4] =	sst s10  }
0x32: {  	s10 =	sld [smem:$0x3FB2];
	_ =	sdelay $0x3  }
0x33: {  	p0 =	seq.s32 s10, $0x1;
	s10 =	sld [smem:$0x3FB4];
	_ =	sdelay $0x3  }
0x34: {  	[smem:$0x3FB4] =	sst s10  }
0x35: {  	s10 =	sld [smem:$0x3FB3];
	_ =	sdelay $0x3  }
0x36: {  	p1 =	seq.s32 s10, $0x1;
	s10 =	sld [smem:$0x3FB4];
	_ =	sdelay $0x3  }
0x37: {  	[smem:$0x3FB4] =	sst s10  }
0x38: {  	s10 =	sld [smem:$0x3FB5]  }
0x39: {  	_ = 	snop;
	(pc) =	sbr.ind lr, $3  }
0x3a: {  	_ = 	snop  }
0x3b: {  	_ = 	snop  }
0x3c: {  	p2 =	seq.s32 s10, $0x1;
	s10 =	sld [smem:$0x3FB4]  }
0x3d: {  	_ =	shalt  }
0x3e: {  	_ =	shalt  }
0x3f: {  	_ =	shalt  }
0x40: {  	_ =	shalt  }
0x41: {  	_ =	shalt  }
0x42: {  	_ =	shalt  }
0x43: {  	_ =	shalt  }
0x44: {  	_ =	shalt  }
0x45: {  	_ =	shalt  }
0x46: {  	_ =	shalt  }
0x47: {  	_ =	shalt  }
0x48: {  	_ =	shalt  }
0x49: {  	_ =	shalt  }
0x4a: {  	_ =	shalt  }
0x4b: {  	_ =	shalt  }
0x4c: {  	_ =	shalt  }
0x4d: {  	_ =	shalt  }
0x4e: {  	_ =	shalt  }
0x4f: {  	_ =	shalt  }
0x50: {  	_ =	shalt  }
0x51: {  	_ =	shalt  }
0x52: {  	_ =	shalt  }
0x53: {  	_ =	shalt  }
0x54: {  	_ =	shalt  }
0x55: {  	_ =	shalt  }
0x56: {  	_ =	shalt  }
0x57: {  	_ =	shalt  }
0x58: {  	_ =	shalt  }
0x59: {  	_ =	shalt  }
0x5a: {  	_ =	shalt  }
0x5b: {  	_ =	shalt  }
0x5c: {  	_ =	shalt  }
0x5d: {  	_ =	shalt  }
0x5e: {  	_ =	shalt  }
0x5f: {  	_ =	shalt  }
0x60: {  	_ =	shalt  }
0x61: {  	_ =	shalt  }
0x62: {  	_ =	shalt  }
0x63: {  	_ =	shalt  }
0x64: {  	_ =	shalt  }
0x65: {  	_ =	shalt  }
0x66: {  	_ =	shalt  }
0x67: {  	_ =	shalt  }
0x68: {  	_ =	shalt  }
0x69: {  	_ =	shalt  }
0x6a: {  	_ =	shalt  }
0x6b: {  	_ =	shalt  }
0x6c: {  	_ =	shalt  }
0x6d: {  	_ =	shalt  }
0x6e: {  	_ =	shalt  }
0x6f: {  	_ =	shalt  }
0x70: {  	_ =	shalt  }
0x71: {  	_ =	shalt  }
0x72: {  	_ =	shalt  }
0x73: {  	_ =	shalt  }
0x74: {  	_ =	shalt  }
0x75: {  	_ =	shalt  }
0x76: {  	_ =	shalt  }
0x77: {  	_ =	shalt  }
0x78: {  	_ =	shalt  }
0x79: {  	_ =	shalt  }
0x7a: {  	_ =	shalt  }
0x7b: {  	_ =	shalt  }
0x7c: {  	_ =	shalt  }
0x7d: {  	_ =	shalt  }
0x7e: {  	_ =	shalt  }
0x7f: {  	_ =	shalt  }
0x80: {  	_ =	shalt  }
0x81: {  	_ =	shalt  }
0x82: {  	_ =	shalt  }
0x83: {  	_ =	shalt  }
0x84: {  	_ =	shalt  }
0x85: {  	_ =	shalt  }
0x86: {  	_ =	shalt  }
0x87: {  	_ =	shalt  }
.Lfunc_end0:
.L_simem_size_0:
called_computation_lowered:
.L_overlay_start_0:
0x88: {  	s2 =	sld [smem:$0x3FD9]  }
0x89: {  	s3 =	sld [smem:$0x3FFE];
	_ =	sdelay $0x1  }
0x8a: {  	s1 =	srdreg.scid  }
0x8b: {  	s0 =	sand.u32 $0x1, s1  }
0x8c: {  	s17 =	sshll.u32 s0, $0xA;
	s2 =	sadd.s32 s3, s2  }
0x8d: {  	s2 =	sadd.s32 s2, s17  }
0x8e: {  	[smem:$0x3FC0] =	sst s2  }
0x8f: {  	_ = 	snop  }
0x90: {  	s2 =	sld [smem:$0x3FC7]  }
0x91: {  	s18 =	sld [smem:$0x3FD0];
	(tm) =	ssettm $0x1  }
0x92: {  	s4 =	sld [smem:$0x3FFB];
	_ =	sdelay $0x3  }
0x93: {  	_ =	strace s4  }
0x94: {  	s4 =	sld [smem:$0x3FFC];
	_ =	sdelay $0x3  }
0x95: {  	_ =	strace s4  }
0x96: {  	s4 =	sld [smem:$0x3FFD];
	_ =	sdelay $0x3  }
0x97: {  	_ =	strace s4  }
0x98: {  	_ =	strace $0x8FFFFFFF  }
0x99: {  	s19 =	sld [smem:$0x3FDB];
	_ =	sdelay $0x1  }
0x9a: {  	s5 =	simm.s32 $_scs_section_size  }
0x9b: {  	s6 =	simm.s32 $_size__tile_overlayer_lowered;
	s7 =	simm.s32 $_tile_overlayer_lowered  }
0x9c: {  	s22 =	simm.s32 $0x1BFF;
	s21 =	sshll.u32 s7, $0x1;
	s4 =	sadd.s32 s5, s19  }
0x9d: {  	s8 =	simm.s32 $0x0;
	s20 =	sshll.u32 s6, $0x1;
	s6 =	sadd.s32 s21, s4  }
0x9e: {  	[timem:s8], [sflag:s22] =	dma.local [hbm:s6], s20  }
0x9f: {  	_ =	swait.ge [sflag:s22], s20  }
0xa0: {  	s5 =	ssub.s32 $0x0, s20;
	[sflag:s22] =	ssyncset.done $0x0  }
0xa1: {  	[sflag:s22] =	ssyncadd.s32 s5;
	_ =	sdelay $0x1  }
0xa2: {  	s23 =	simm.s32 $0x1B8B  }
0xa3: {  	_ =	swait.ge [sflag:s23], $0x1  }
0xa4: {  	[sflag:s23] =	ssyncset.done $0x0  }
0xa5: {  	s25 =	simm.s32 $0x1B8E;
	s24 =	sld [smem:$0x3FFE];
	[sflag:s23] =	ssyncadd.s32 $0xFFFFFFFF  }
0xa6: {  	s26 =	simm.s32 $execute0_lowered;
	[smem:$0x3FD2] =	sst s25  }
0xa7: {  	s6 =	sshll.u32 s26, $0x1;
	_ =	strace $0x80000046;
	[dreg:$0x1] =	wrdreg $0xFFFFFFFF  }
0xa8: {  	s28 =	simm.s32 $_size_execute0_lowered;
	s4 =	sadd.s32 s4, s6;
	[dreg:$0x0] =	wrdreg $0x0  }
0xa9: {  	s6 =	sshll.u32 s28, $0x1;
	[dreg:$0x2] =	wrdreg s4  }
0xaa: {  	[dreg:$0x3] =	wrdreg s6  }
0xab: {  	[dreg:$0x4] =	wrdreg $0xC0  }
0xac: {  	_ =	task [dreg:s8], $0x5FFFF  }
0xad: {  	[dreg:$0x1] =	wrdreg $0xFFFFFFFF  }
0xae: {  	[dreg:$0x0] =	wrdreg $0x60  }
0xaf: {  	[dreg:$0x2] =	wrdreg s24  }
0xb0: {  	[dreg:$0x3] =	wrdreg s2  }
0xb1: {  	[dreg:$0x4] =	wrdreg s18  }
0xb2: {  	[dreg:$0x5] =	wrdreg $0xF4D00  }
0xb3: {  	[dreg:$0x6] =	wrdreg $0x9  }
0xb4: {  	_ =	task.clear_ibuf [dreg:s8], $0x7FFFF;
	_ =	strace $0x90000046  }
0xb5: {  	s29 =	simm.s32 $0x9;
	_ =	strace $0x80000048  }
0xb6: {  	_ =	swait.ge [sflag:s29], $0x1  }
0xb7: {  	[sflag:s29] =	ssyncadd.s32 $0xFFFFFFFF  }
0xb8: {  	_ =	strace $0x90000048  }
0xb9: {  	_ =	sfence  }
0xba: {  	s30 =	sld [smem:$0x0];
	_ =	sdelay $0x2  }
0xbb: {  	s31 =	sshll.u32 s1, $0xD;
	s1 =	sshrl.u32 s1, $0x2  }
0xbc: {  	s3 =	sand.u32 $0x4000, s31;
	s1 =	sadd.s32 s1, s30  }
0xbd: {  	s0 =	sor.u32 s3, s0;
	s1 =	sshll.u32 s1, $0x11  }
0xbe: {  	s0 =	sor.u32 s1, s0  }
0xbf: {  	s0 =	sadd.s32 $0x8F2B, s0  }
0xc0: {  	[sflag:s0] =	ssyncadd.remote.s32 $0x1  }
0xc1: {  	_ =	sfence.sel $0xFFFF  }
0xc2: {  	[dreg:$0x0] =	wrdreg $0xFFFFFFFF;
	(pc) =	sbr.abs _section_cstart, $3  }
0xc3: {  	[dreg:$0x1] =	wrdreg $0xFFFFFFFF  }
0xc4: {  	_ =	task.clear_ibuf [dreg:s8], $0x2FFFF;
	_ =	strace $0x9FFFFFFF  }
0xc5: {  	(tm) =	ssettm $0x7FFFFFFF  }
tec
execute0_lowered:
.L_overlay_start_1:
0x0: {  	(tag) =	ssettag $0x1  }
0x1: {  	s1 =	rddreg [dreg:$0x0]  }
0x2: {  	s0 =	srdreg.scid;
	s4 =	rddreg [dreg:$0x1]  }
0x3: {  	s10 =	stileid.u32;
	s5 =	rddreg [dreg:$0x2]  }
0x4: {  	s20 =	simm.s32 $0x7D00;
	s21 =	simm.s32 $0x84D0;
	s22 =	simm.s32 $0x8CA0  }
0x5: {  	s23 =	simm.s32 $0x9470;
	s24 =	simm.s32 $0x9C40;
	s29 =	simm.s32 $0x3  }
0x6: {  	s30 =	simm.s32 $0x7D0;
	s28 =	simm.s32 $0x2;
	s0 =	sand.u32 $0x1, s0  }
0x7: {  	s9 =	sadd.s32 $0x14C00, s1;
	s15 =	sshll.u32 s10, $0x6;
	s11 =	sadd.s32 $0xC00, s1  }
0x8: {  	s31 =	smul.u32 $0xA00, s10;
	s2 =	sshll.u32 s0, $0x4;
	s8 =	ssub.s32 $0x2, s0  }
0x9: {  	s0 =	sshll.u32 s0, $0xA;
	s3 =	sor.u32 s10, s2;
	s2 =	rddreg [dreg:$0x3]  }
0xa: {  	s25 =	sshrl.u32 s8, $0x1;
	s6 =	smul.u32 $0x2710, s3;
	s3 =	simm.s32 $0x0  }
0xb: {  	s17 =	ssub.s32 s8, s25;
	s25 =	simm.s32 $0x0;
	[smem:$0x7FF] =	sst s3  }
0xc: {  	s6 =	sshrl.u32 s6, $0x3;
	_ =	strace $0x80000047;
	[dreg:$0x5] =	wrdreg s9  }
0xd: {  	s17 =	smax.u32 s17, $0x1;
	[dreg:$0x6] =	wrdreg s11;
	s7 =	sadd.s32 s6, s1  }
0xe: {  	s1 =	sadd.s32 s15, s1;
	s4 =	sadd.s32 s4, s6;
	s15 =	sadd.s32 s5, s15  }
0xf: {  	s26 =	sadd.s32 $0x1200, s7;
	[dreg:$0x8] =	wrdreg s4;
	s8 =	sadd.s32 $0xAE40, s7  }
0x10: {  	s9 =	sadd.s32 $0xAF3A, s7;
	s10 =	sadd.s32 $0xB034, s7;
	s11 =	sadd.s32 $0xB12E, s7  }
0x11: {  	s4 =	sshrl.u32 s31, $0x2;
	s12 =	sadd.s32 $0xB228, s7;
	s0 =	sadd.s32 s0, s1  }
0x12: {  	s14 =	sadd.s32 $0xE00, s1;
	[dreg:$0x7] =	wrdreg s26;
	s13 =	sadd.s32 s4, s2  }
0x13: {  	v0 =	vimm.f32 $0.0e+00;
	s16 =	sadd.s32 $0x15200, s0;
	s26 =	simm.s32 $0x1;
	s0 =	simm.s32 $0xC440  }
.LBB2_1:
0x14: {  	s1 =	rddreg [dreg:$0x7]  }
0x15: {  	[tilespmem:s3], [sflag:$0x1] =	stream.linear.gather [hbm4b:s1+s3], $0x2710, $0x38;
	[tilespmem:$0xF750] =	vst v63  }
0x16: {  	s6 =	rddreg [dreg:$0x8];
	s4 =	simm.s32 $0x2710  }
0x17: {  	[tilespmem:s4], [sflag:$0x1] =	stream.linear.gather [hbm4b:s6+s3], $0x2710, $0x38;
	[tilespmem:$0xF750] =	vst v63  }
0x18: {  	s7 =	simm.s32 $0x7530  }
0x19: {  	[tilespmem:s7], [sflag:$0x1] =	stream.linear.gather [hbm4b:s8+s3], $0x7D0, $0x38;
	[tilespmem:$0xF750] =	vst v63  }
0x1a: {  	_ = 	snop  }
0x1b: {  	[tilespmem:s20], [sflag:$0x1] =	stream.linear.gather [hbm4b:s9+s3], $0x7D0, $0x38;
	[tilespmem:$0xF750] =	vst v63  }
0x1c: {  	_ = 	snop  }
0x1d: {  	[tilespmem:s21], [sflag:$0x1] =	stream.linear.gather [hbm4b:s10+s3], $0x7D0, $0x38;
	[tilespmem:$0xF750] =	vst v63  }
0x1e: {  	_ = 	snop  }
0x1f: {  	[tilespmem:s22], [sflag:$0x1] =	stream.linear.gather [hbm4b:s11+s3], $0x7D0, $0x38;
	[tilespmem:$0xF750] =	vst v63  }
0x20: {  	_ = 	snop  }
0x21: {  	[tilespmem:s23], [sflag:$0x1] =	stream.linear.gather [hbm4b:s12+s3], $0x7D0, $0x38;
	[tilespmem:$0xF750] =	vst v63  }
0x22: {  	s18 =	rddreg [dreg:$0x5]  }
0x23: {  	[tilespmem:s24], [sflag:$0x1] =	stream.linear.gather [hbm4b:s18+s3], $0x2710, $0x38;
	[tilespmem:$0xF750] =	vst v63  }
0x24: {  	s19 =	rddreg [dreg:$0x6];
	s31 =	simm.s32 $0xF4C0;
	s1 =	simm.s32 $0xEC60  }
0x25: {  	[tilespmem:s31], [sflag:$0x1] =	stream.linear.gather [hbm4b:s19+s3], $0x10, $0x38;
	[tilespmem:$0xF750] =	vst v63  }
0x26: {  	[tilespmem:s1+$0xFFFFFFE0] =	vst v0  }
0x27: {  	[tilespmem:s1+$0x10] =	vst v0  }
0x28: {  	s4 =	simm.s32 $0x0;
	[tilespmem:s1+$0x0] =	vst v0  }
.LBB2_2:
0x29: {  	s4 =	sadd.s32 $0x40, s4  }
0x2a: {  	[tilespmem:s1+$0xFFFFFFF0] =	vst v0;
	s1 =	sadd.s32 $0x40, s1;
	p0 =	slt.u32 s4, $0x240  }
.Ltmp0:
0x2b: {  	[tilespmem:s1+$0xFFFFFFE0] =	vst v0;
	(pc) =	sbr.rel @p0 .LBB2_2-.Ltmp0, $3  }
0x2c: {  	_ =	sdelay $0x1  }
0x2d: {  	[tilespmem:s1+$0x10] =	vst v0  }
0x2e: {  	[tilespmem:s1+$0x0] =	vst v0  }
0x2f: {  	[tilespmem:s1+$0xFFFFFFF0] =	vst v0  }
0x30: {  	_ =	swait.ge [sflag:s26], $0x2710  }
0x31: {  	[sflag:s26] =	ssyncset.done $0x0  }
0x32: {  	[sflag:s26] =	ssyncadd.s32 $0xFFFFD8F0  }
0x33: {  	_ =	swait.ge [sflag:s26], $0x2710  }
0x34: {  	[sflag:s26] =	ssyncset.done $0x0  }
0x35: {  	[sflag:s26] =	ssyncadd.s32 $0xFFFFD8F0  }
0x36: {  	_ =	swait.ge [sflag:s26], $0x7D0  }
0x37: {  	[sflag:s26] =	ssyncset.done $0x0  }
0x38: {  	[sflag:s26] =	ssyncadd.s32 $0xFFFFF830  }
0x39: {  	_ =	swait.ge [sflag:s26], $0x7D0  }
0x3a: {  	[sflag:s26] =	ssyncset.done $0x0  }
0x3b: {  	[sflag:s26] =	ssyncadd.s32 $0xFFFFF830  }
0x3c: {  	_ =	swait.ge [sflag:s26], $0x7D0  }
0x3d: {  	[sflag:s26] =	ssyncset.done $0x0  }
0x3e: {  	[sflag:s26] =	ssyncadd.s32 $0xFFFFF830  }
0x3f: {  	_ =	swait.ge [sflag:s26], $0x7D0  }
0x40: {  	[sflag:s26] =	ssyncset.done $0x0  }
0x41: {  	[sflag:s26] =	ssyncadd.s32 $0xFFFFF830  }
0x42: {  	_ =	swait.ge [sflag:s26], $0x7D0  }
0x43: {  	[sflag:s26] =	ssyncset.done $0x0  }
0x44: {  	[sflag:s26] =	ssyncadd.s32 $0xFFFFF830  }
0x45: {  	_ =	swait.ge [sflag:s26], $0x2710  }
0x46: {  	[sflag:s26] =	ssyncset.done $0x0  }
0x47: {  	[sflag:s26] =	ssyncadd.s32 $0xFFFFD8F0  }
0x48: {  	_ =	swait.ge [sflag:s26], $0x10  }
0x49: {  	[sflag:s26] =	ssyncset.done $0x0  }
0x4a: {  	s18 =	simm.s32 $0xEC40;
	[sflag:s26] =	ssyncadd.s32 $0xFFFFFFF0  }
0x4b: {  	[spmem:s13] =	stream.linear.scatter [tilespmem:s18], [sflag:$0x3], $0x280, $0x38;
	[tilespmem:$0xF750] =	vst v63  }
0x4c: {  	_ =	swait.ge [sflag:s29], $0x280  }
0x4d: {  	[sflag:s29] =	ssyncset.done $0x0  }
0x4e: {  	[sflag:s29] =	ssyncadd.s32 $0xFFFFFD80  }
0x4f: {  	s19 =	simm.s32 $0x40;
	[bflag:$0x0] =	sbarrier.arrive $0xFFFF  }
0x50: {  	v1 =	vld [tilespmem:s19+$0x30]  }
0x51: {  	v2 =	vld [tilespmem:s19+$0xFFFFFFD0]  }
0x52: {  	v3 =	vld [tilespmem:s19+$0xFFFFFFE0]  }
0x53: {  	v4 =	vld [tilespmem:s19+$0xFFFFFFF0]  }
0x54: {  	v6 =	vld [tilespmem:s19+$0x0]  }
0x55: {  	v7 =	vld [tilespmem:s19+$0x10]  }
0x56: {  	v8 =	vld [tilespmem:s19+$0x20]  }
0x57: {  	s5 =	simm.s32 $0x2750;
	v9 =	vld [tilespmem:s19+$0xFFFFFFC0]  }
0x58: {  	v12 =	vld [tilespmem:s5+$0x30]  }
0x59: {  	v14 =	vld [tilespmem:s5+$0xFFFFFFC0]  }
0x5a: {  	v15 =	vld [tilespmem:s5+$0xFFFFFFD0]  }
0x5b: {  	v10 =	vld [tilespmem:s5+$0xFFFFFFE0]  }
0x5c: {  	v11 =	vld.idx.msk [tilespmem:v1+s24+$0x0], $0xffff  }
0x5d: {  	v13 =	vld.idx.msk [tilespmem:v2+s24+$0x0], $0xffff  }
0x5e: {  	v5 =	vld.idx.msk [tilespmem:v3+s24+$0x0], $0xffff  }
0x5f: {  	v4 =	vld.idx.msk [tilespmem:v4+s24+$0x0], $0xffff  }
0x60: {  	v3 =	vld.idx.msk [tilespmem:v6+s24+$0x0], $0xffff  }
0x61: {  	v9 =	vld.idx.msk [tilespmem:v9+s24+$0x0], $0xffff  }
0x62: {  	v1 =	vld.idx.msk [tilespmem:v7+s24+$0x0], $0xffff  }
0x63: {  	v2 =	vld.idx.msk [tilespmem:v8+s24+$0x0], $0xffff  }
0x64: {  	v7 =	vld [tilespmem:s5+$0xFFFFFFF0]  }
0x65: {  	s6 =	simm.s32 $0x4E60;
	v6 =	vld [tilespmem:s5+$0x0];
	v11 =	vmul.f32 v11, v12  }
0x66: {  	s7 =	simm.s32 $0x0;
	s31 =	simm.s32 $0x780;
	s1 =	simm.s32 $0x770;
	v8 =	vld [tilespmem:s5+$0x10];
	v12 =	vmul.f32 v9, v14  }
0x67: {  	s4 =	simm.s32 $0x2E90;
	s18 =	simm.s32 $0x55A0;
	s19 =	simm.s32 $0xC0;
	v9 =	vld [tilespmem:s5+$0x20];
	[tilespmem:s6+$0x30] =	vst v11;
	v11 =	vmul.f32 v13, v15  }
.LBB2_4:
0x68: {  	v13 =	vld [tilespmem:s19+$0x30];
	s7 =	sadd.s32 $0x80, s7;
	[tilespmem:s6+$0xFFFFFFC0] =	vst v12;
	v5 =	vmul.f32 v5, v10  }
0x69: {  	v10 =	vld [tilespmem:s19+$0xFFFFFFD0];
	p0 =	slt.u32 s7, $0x700;
	[tilespmem:s6+$0xFFFFFFD0] =	vst v11;
	v4 =	vmul.f32 v4, v7  }
0x6a: {  	v7 =	vld [tilespmem:s19+$0xFFFFFFE0];
	[tilespmem:s6+$0xFFFFFFE0] =	vst v5;
	v3 =	vmul.f32 v3, v6  }
0x6b: {  	v6 =	vld [tilespmem:s19+$0xFFFFFFF0];
	[tilespmem:s6+$0xFFFFFFF0] =	vst v4;
	v1 =	vmul.f32 v1, v8  }
0x6c: {  	v8 =	vld [tilespmem:s19+$0x0];
	[tilespmem:s6+$0x0] =	vst v3;
	v2 =	vmul.f32 v2, v9  }
0x6d: {  	v9 =	vld [tilespmem:s19+$0x10];
	[tilespmem:s6+$0x10] =	vst v1  }
0x6e: {  	v11 =	vld [tilespmem:s19+$0x20];
	[tilespmem:s6+$0x20] =	vst v2  }
0x6f: {  	v2 =	vld [tilespmem:s19+$0xFFFFFFC0]  }
0x70: {  	s5 =	sadd.s32 $0x80, s5;
	v12 =	vld.idx.msk [tilespmem:v13+s24+$0x0], $0xffff  }
0x71: {  	v13 =	vld [tilespmem:s5+$0x30]  }
0x72: {  	v14 =	vld.idx.msk [tilespmem:v10+s24+$0x0], $0xffff  }
0x73: {  	v5 =	vld.idx.msk [tilespmem:v7+s24+$0x0], $0xffff  }
0x74: {  	v4 =	vld.idx.msk [tilespmem:v6+s24+$0x0], $0xffff  }
0x75: {  	v3 =	vld.idx.msk [tilespmem:v8+s24+$0x0], $0xffff  }
0x76: {  	v1 =	vld.idx.msk [tilespmem:v9+s24+$0x0], $0xffff;
	v6 =	vmul.f32 v12, v13  }
0x77: {  	s6 =	sadd.s32 $0x80, s6;
	v8 =	vld.idx.msk [tilespmem:v2+s24+$0x0], $0xffff  }
0x78: {  	v2 =	vld.idx.msk [tilespmem:v11+s24+$0x0], $0xffff;
	[tilespmem:s6+$0x30] =	vst v6  }
0x79: {  	v9 =	vld [tilespmem:s5+$0xFFFFFFC0]  }
0x7a: {  	v11 =	vld [tilespmem:s5+$0xFFFFFFD0]  }
.Ltmp1:
0x7b: {  	v10 =	vld [tilespmem:s5+$0xFFFFFFE0];
	(pc) =	sbr.rel @p0 .LBB2_4-.Ltmp1, $4  }
0x7c: {  	v7 =	vld [tilespmem:s5+$0xFFFFFFF0]  }
0x7d: {  	v6 =	vld [tilespmem:s5+$0x0]  }
0x7e: {  	v12 =	vmul.f32 v8, v9;
	v8 =	vld [tilespmem:s5+$0x10]  }
0x7f: {  	s19 =	sadd.s32 $0x80, s19;
	v11 =	vmul.f32 v14, v11;
	v9 =	vld [tilespmem:s5+$0x20]  }
0x80: {  	[tilespmem:s6+$0xFFFFFFC0] =	vst v12;
	v5 =	vmul.f32 v5, v10  }
0x81: {  	[tilespmem:s6+$0xFFFFFFD0] =	vst v11;
	v4 =	vmul.f32 v4, v7  }
0x82: {  	[tilespmem:s6+$0xFFFFFFE0] =	vst v5;
	v3 =	vmul.f32 v3, v6  }
0x83: {  	[tilespmem:s6+$0xFFFFFFF0] =	vst v4;
	v1 =	vmul.f32 v1, v8  }
0x84: {  	[tilespmem:s6+$0x0] =	vst v3;
	v2 =	vmul.f32 v2, v9  }
0x85: {  	[tilespmem:s6+$0x10] =	vst v1  }
0x86: {  	[tilespmem:s6+$0x20] =	vst v2  }
.LBB2_6:
0x87: {  	v1 =	vld [tilespmem:s31+$0x0];
	_ =	sdelay $0x6  }
0x88: {  	v2 =	vld [tilespmem:s4+$0x0]  }
0x89: {  	v1 =	vld.idx.msk [tilespmem:v1+s24+$0x0], $0xffff  }
0x8a: {  	s1 =	sadd.s32 $0x10, s1  }
0x8b: {  	p0 =	slt.u32 s1, $0x7C0  }
.Ltmp2:
0x8c: {  	_ = 	snop;
	(pc) =	sbr.rel @p0 .LBB2_6-.Ltmp2, $3  }
0x8d: {  	_ = 	snop  }
0x8e: {  	v1 =	vmul.f32 v1, v2;
	_ =	sdelay $0x1  }
0x8f: {  	s4 =	sadd.s32 $0x10, s4;
	s31 =	sadd.s32 $0x10, s31;
	[tilespmem:s18+$0x0] =	vst v1;
	s18 =	sadd.s32 $0x10, s18  }
0x90: {  	s1 =	simm.s32 $0x7530;
	s4 =	simm.s32 $0x4E20;
	s19 =	simm.s32 $0x840  }
0x91: {  	[spmem:s2] =	stream.indirect.scatter.add.f32 [tilespmem:s4], [sflag:$0x2], $0x1, s1, s30, $0xb8;
	[tilespmem:$0xF750] =	vst v63  }
0x92: {  	v1 =	vld [tilespmem:s19+$0x0]  }
0x93: {  	v2 =	vld [tilespmem:s19+$0xFFFFFFA0]  }
0x94: {  	v3 =	vld [tilespmem:s19+$0xFFFFFFB0]  }
0x95: {  	v4 =	vld [tilespmem:s19+$0xFFFFFFC0]  }
0x96: {  	v6 =	vld [tilespmem:s19+$0xFFFFFFD0]  }
0x97: {  	v7 =	vld [tilespmem:s19+$0xFFFFFFE0]  }
0x98: {  	v8 =	vld [tilespmem:s19+$0xFFFFFFF0]  }
0x99: {  	s5 =	simm.s32 $0x2F50;
	v9 =	vld [tilespmem:s19+$0xFFFFFF90]  }
0x9a: {  	v12 =	vld [tilespmem:s5+$0x0]  }
0x9b: {  	v14 =	vld [tilespmem:s5+$0xFFFFFF90]  }
0x9c: {  	v15 =	vld [tilespmem:s5+$0xFFFFFFA0]  }
0x9d: {  	v10 =	vld [tilespmem:s5+$0xFFFFFFB0]  }
0x9e: {  	v11 =	vld.idx.msk [tilespmem:v1+s24+$0x0], $0xffff  }
0x9f: {  	v13 =	vld.idx.msk [tilespmem:v2+s24+$0x0], $0xffff  }
0xa0: {  	v5 =	vld.idx.msk [tilespmem:v3+s24+$0x0], $0xffff  }
0xa1: {  	v4 =	vld.idx.msk [tilespmem:v4+s24+$0x0], $0xffff  }
0xa2: {  	v3 =	vld.idx.msk [tilespmem:v6+s24+$0x0], $0xffff  }
0xa3: {  	v9 =	vld.idx.msk [tilespmem:v9+s24+$0x0], $0xffff  }
0xa4: {  	v1 =	vld.idx.msk [tilespmem:v7+s24+$0x0], $0xffff  }
0xa5: {  	v2 =	vld.idx.msk [tilespmem:v8+s24+$0x0], $0xffff  }
0xa6: {  	v7 =	vld [tilespmem:s5+$0xFFFFFFC0]  }
0xa7: {  	s6 =	simm.s32 $0x5660;
	v6 =	vld [tilespmem:s5+$0xFFFFFFD0];
	v11 =	vmul.f32 v11, v12  }
0xa8: {  	s7 =	simm.s32 $0x7D0;
	s31 =	simm.s32 $0xF50;
	s18 =	simm.s32 $0x5D70;
	v8 =	vld [tilespmem:s5+$0xFFFFFFE0];
	v12 =	vmul.f32 v9, v14  }
0xa9: {  	s1 =	simm.s32 $0xF40;
	s4 =	simm.s32 $0x3660;
	s19 =	simm.s32 $0x8C0;
	v9 =	vld [tilespmem:s5+$0xFFFFFFF0];
	[tilespmem:s6+$0x0] =	vst v11;
	v11 =	vmul.f32 v13, v15  }
.LBB2_8:
0xaa: {  	v13 =	vld [tilespmem:s19+$0x0];
	s7 =	sadd.s32 $0x80, s7;
	[tilespmem:s6+$0xFFFFFF90] =	vst v12;
	v5 =	vmul.f32 v5, v10  }
0xab: {  	v10 =	vld [tilespmem:s19+$0xFFFFFFA0];
	p0 =	slt.u32 s7, $0xED0;
	[tilespmem:s6+$0xFFFFFFA0] =	vst v11;
	v4 =	vmul.f32 v4, v7  }
0xac: {  	v7 =	vld [tilespmem:s19+$0xFFFFFFB0];
	[tilespmem:s6+$0xFFFFFFB0] =	vst v5;
	v3 =	vmul.f32 v3, v6  }
0xad: {  	v6 =	vld [tilespmem:s19+$0xFFFFFFC0];
	[tilespmem:s6+$0xFFFFFFC0] =	vst v4;
	v1 =	vmul.f32 v1, v8  }
0xae: {  	v8 =	vld [tilespmem:s19+$0xFFFFFFD0];
	[tilespmem:s6+$0xFFFFFFD0] =	vst v3;
	v2 =	vmul.f32 v2, v9  }
0xaf: {  	v9 =	vld [tilespmem:s19+$0xFFFFFFE0];
	[tilespmem:s6+$0xFFFFFFE0] =	vst v1  }
0xb0: {  	v11 =	vld [tilespmem:s19+$0xFFFFFFF0];
	[tilespmem:s6+$0xFFFFFFF0] =	vst v2  }
0xb1: {  	v2 =	vld [tilespmem:s19+$0xFFFFFF90]  }
0xb2: {  	s5 =	sadd.s32 $0x80, s5;
	v12 =	vld.idx.msk [tilespmem:v13+s24+$0x0], $0xffff  }
0xb3: {  	v13 =	vld [tilespmem:s5+$0x0]  }
0xb4: {  	v14 =	vld.idx.msk [tilespmem:v10+s24+$0x0], $0xffff  }
0xb5: {  	v5 =	vld.idx.msk [tilespmem:v7+s24+$0x0], $0xffff  }
0xb6: {  	v4 =	vld.idx.msk [tilespmem:v6+s24+$0x0], $0xffff  }
0xb7: {  	v3 =	vld.idx.msk [tilespmem:v8+s24+$0x0], $0xffff  }
0xb8: {  	v1 =	vld.idx.msk [tilespmem:v9+s24+$0x0], $0xffff;
	v6 =	vmul.f32 v12, v13  }
0xb9: {  	s6 =	sadd.s32 $0x80, s6;
	v8 =	vld.idx.msk [tilespmem:v2+s24+$0x0], $0xffff  }
0xba: {  	v2 =	vld.idx.msk [tilespmem:v11+s24+$0x0], $0xffff;
	[tilespmem:s6+$0x0] =	vst v6  }
0xbb: {  	v9 =	vld [tilespmem:s5+$0xFFFFFF90]  }
0xbc: {  	v11 =	vld [tilespmem:s5+$0xFFFFFFA0]  }
.Ltmp3:
0xbd: {  	v10 =	vld [tilespmem:s5+$0xFFFFFFB0];
	(pc) =	sbr.rel @p0 .LBB2_8-.Ltmp3, $4  }
0xbe: {  	v7 =	vld [tilespmem:s5+$0xFFFFFFC0]  }
0xbf: {  	v6 =	vld [tilespmem:s5+$0xFFFFFFD0]  }
0xc0: {  	v12 =	vmul.f32 v8, v9;
	v8 =	vld [tilespmem:s5+$0xFFFFFFE0]  }
0xc1: {  	s19 =	sadd.s32 $0x80, s19;
	v11 =	vmul.f32 v14, v11;
	v9 =	vld [tilespmem:s5+$0xFFFFFFF0]  }
0xc2: {  	[tilespmem:s6+$0xFFFFFF90] =	vst v12;
	v5 =	vmul.f32 v5, v10  }
0xc3: {  	[tilespmem:s6+$0xFFFFFFA0] =	vst v11;
	v4 =	vmul.f32 v4, v7  }
0xc4: {  	[tilespmem:s6+$0xFFFFFFB0] =	vst v5;
	v3 =	vmul.f32 v3, v6  }
0xc5: {  	[tilespmem:s6+$0xFFFFFFC0] =	vst v4;
	v1 =	vmul.f32 v1, v8  }
0xc6: {  	[tilespmem:s6+$0xFFFFFFD0] =	vst v3;
	v2 =	vmul.f32 v2, v9  }
0xc7: {  	[tilespmem:s6+$0xFFFFFFE0] =	vst v1  }
0xc8: {  	[tilespmem:s6+$0xFFFFFFF0] =	vst v2  }
.LBB2_10:
0xc9: {  	v1 =	vld [tilespmem:s31+$0x0];
	_ =	sdelay $0x6  }
0xca: {  	v2 =	vld [tilespmem:s4+$0x0]  }
0xcb: {  	v1 =	vld.idx.msk [tilespmem:v1+s24+$0x0], $0xffff  }
0xcc: {  	s1 =	sadd.s32 $0x10, s1  }
0xcd: {  	p0 =	slt.u32 s1, $0xF90  }
.Ltmp4:
0xce: {  	_ = 	snop;
	(pc) =	sbr.rel @p0 .LBB2_10-.Ltmp4, $3  }
0xcf: {  	_ = 	snop  }
0xd0: {  	v1 =	vmul.f32 v1, v2;
	_ =	sdelay $0x1  }
0xd1: {  	s4 =	sadd.s32 $0x10, s4;
	s31 =	sadd.s32 $0x10, s31;
	[tilespmem:s18+$0x0] =	vst v1;
	s18 =	sadd.s32 $0x10, s18  }
0xd2: {  	s1 =	simm.s32 $0x55F0;
	s19 =	simm.s32 $0x1010  }
0xd3: {  	[spmem:s2] =	stream.indirect.scatter.add.f32 [tilespmem:s1], [sflag:$0x2], $0x1, s20, s30, $0xb8;
	[tilespmem:$0xF750] =	vst v63  }
0xd4: {  	v1 =	vld [tilespmem:s19+$0x0]  }
0xd5: {  	v2 =	vld [tilespmem:s19+$0xFFFFFFA0]  }
0xd6: {  	v3 =	vld [tilespmem:s19+$0xFFFFFFB0]  }
0xd7: {  	v4 =	vld [tilespmem:s19+$0xFFFFFFC0]  }
0xd8: {  	v6 =	vld [tilespmem:s19+$0xFFFFFFD0]  }
0xd9: {  	v7 =	vld [tilespmem:s19+$0xFFFFFFE0]  }
0xda: {  	v8 =	vld [tilespmem:s19+$0xFFFFFFF0]  }
0xdb: {  	s5 =	simm.s32 $0x3720;
	v9 =	vld [tilespmem:s19+$0xFFFFFF90]  }
0xdc: {  	v12 =	vld [tilespmem:s5+$0x0]  }
0xdd: {  	v14 =	vld [tilespmem:s5+$0xFFFFFF90]  }
0xde: {  	v15 =	vld [tilespmem:s5+$0xFFFFFFA0]  }
0xdf: {  	v10 =	vld [tilespmem:s5+$0xFFFFFFB0]  }
0xe0: {  	v11 =	vld.idx.msk [tilespmem:v1+s24+$0x0], $0xffff  }
0xe1: {  	v13 =	vld.idx.msk [tilespmem:v2+s24+$0x0], $0xffff  }
0xe2: {  	v5 =	vld.idx.msk [tilespmem:v3+s24+$0x0], $0xffff  }
0xe3: {  	v4 =	vld.idx.msk [tilespmem:v4+s24+$0x0], $0xffff  }
0xe4: {  	v3 =	vld.idx.msk [tilespmem:v6+s24+$0x0], $0xffff  }
0xe5: {  	v9 =	vld.idx.msk [tilespmem:v9+s24+$0x0], $0xffff  }
0xe6: {  	v1 =	vld.idx.msk [tilespmem:v7+s24+$0x0], $0xffff  }
0xe7: {  	v2 =	vld.idx.msk [tilespmem:v8+s24+$0x0], $0xffff  }
0xe8: {  	v7 =	vld [tilespmem:s5+$0xFFFFFFC0]  }
0xe9: {  	s6 =	simm.s32 $0x5E30;
	v6 =	vld [tilespmem:s5+$0xFFFFFFD0];
	v11 =	vmul.f32 v11, v12  }
0xea: {  	s7 =	simm.s32 $0xFA0;
	s31 =	simm.s32 $0x1720;
	s18 =	simm.s32 $0x6540;
	v8 =	vld [tilespmem:s5+$0xFFFFFFE0];
	v12 =	vmul.f32 v9, v14  }
0xeb: {  	s4 =	simm.s32 $0x3E30;
	s1 =	simm.s32 $0x1710;
	s19 =	simm.s32 $0x1090;
	v9 =	vld [tilespmem:s5+$0xFFFFFFF0];
	[tilespmem:s6+$0x0] =	vst v11;
	v11 =	vmul.f32 v13, v15  }
.LBB2_12:
0xec: {  	v13 =	vld [tilespmem:s19+$0x0];
	s7 =	sadd.s32 $0x80, s7;
	[tilespmem:s6+$0xFFFFFF90] =	vst v12;
	v5 =	vmul.f32 v5, v10  }
0xed: {  	v10 =	vld [tilespmem:s19+$0xFFFFFFA0];
	p0 =	slt.u32 s7, $0x16A0;
	[tilespmem:s6+$0xFFFFFFA0] =	vst v11;
	v4 =	vmul.f32 v4, v7  }
0xee: {  	v7 =	vld [tilespmem:s19+$0xFFFFFFB0];
	[tilespmem:s6+$0xFFFFFFB0] =	vst v5;
	v3 =	vmul.f32 v3, v6  }
0xef: {  	v6 =	vld [tilespmem:s19+$0xFFFFFFC0];
	[tilespmem:s6+$0xFFFFFFC0] =	vst v4;
	v1 =	vmul.f32 v1, v8  }
0xf0: {  	v8 =	vld [tilespmem:s19+$0xFFFFFFD0];
	[tilespmem:s6+$0xFFFFFFD0] =	vst v3;
	v2 =	vmul.f32 v2, v9  }
0xf1: {  	v9 =	vld [tilespmem:s19+$0xFFFFFFE0];
	[tilespmem:s6+$0xFFFFFFE0] =	vst v1  }
0xf2: {  	v11 =	vld [tilespmem:s19+$0xFFFFFFF0];
	[tilespmem:s6+$0xFFFFFFF0] =	vst v2  }
0xf3: {  	v2 =	vld [tilespmem:s19+$0xFFFFFF90]  }
0xf4: {  	s5 =	sadd.s32 $0x80, s5;
	v12 =	vld.idx.msk [tilespmem:v13+s24+$0x0], $0xffff  }
0xf5: {  	v13 =	vld [tilespmem:s5+$0x0]  }
0xf6: {  	v14 =	vld.idx.msk [tilespmem:v10+s24+$0x0], $0xffff  }
0xf7: {  	v5 =	vld.idx.msk [tilespmem:v7+s24+$0x0], $0xffff  }
0xf8: {  	v4 =	vld.idx.msk [tilespmem:v6+s24+$0x0], $0xffff  }
0xf9: {  	v3 =	vld.idx.msk [tilespmem:v8+s24+$0x0], $0xffff  }
0xfa: {  	v1 =	vld.idx.msk [tilespmem:v9+s24+$0x0], $0xffff;
	v6 =	vmul.f32 v12, v13  }
0xfb: {  	s6 =	sadd.s32 $0x80, s6;
	v8 =	vld.idx.msk [tilespmem:v2+s24+$0x0], $0xffff  }
0xfc: {  	v2 =	vld.idx.msk [tilespmem:v11+s24+$0x0], $0xffff;
	[tilespmem:s6+$0x0] =	vst v6  }
0xfd: {  	v9 =	vld [tilespmem:s5+$0xFFFFFF90]  }
0xfe: {  	v11 =	vld [tilespmem:s5+$0xFFFFFFA0]  }
.Ltmp5:
0xff: {  	v10 =	vld [tilespmem:s5+$0xFFFFFFB0];
	(pc) =	sbr.rel @p0 .LBB2_12-.Ltmp5, $4  }
0x100: {  	v7 =	vld [tilespmem:s5+$0xFFFFFFC0]  }
0x101: {  	v6 =	vld [tilespmem:s5+$0xFFFFFFD0]  }
0x102: {  	v12 =	vmul.f32 v8, v9;
	v8 =	vld [tilespmem:s5+$0xFFFFFFE0]  }
0x103: {  	s19 =	sadd.s32 $0x80, s19;
	v11 =	vmul.f32 v14, v11;
	v9 =	vld [tilespmem:s5+$0xFFFFFFF0]  }
0x104: {  	[tilespmem:s6+$0xFFFFFF90] =	vst v12;
	v5 =	vmul.f32 v5, v10  }
0x105: {  	[tilespmem:s6+$0xFFFFFFA0] =	vst v11;
	v4 =	vmul.f32 v4, v7  }
0x106: {  	[tilespmem:s6+$0xFFFFFFB0] =	vst v5;
	v3 =	vmul.f32 v3, v6  }
0x107: {  	[tilespmem:s6+$0xFFFFFFC0] =	vst v4;
	v1 =	vmul.f32 v1, v8  }
0x108: {  	[tilespmem:s6+$0xFFFFFFD0] =	vst v3;
	v2 =	vmul.f32 v2, v9  }
0x109: {  	[tilespmem:s6+$0xFFFFFFE0] =	vst v1  }
0x10a: {  	[tilespmem:s6+$0xFFFFFFF0] =	vst v2  }
.LBB2_14:
0x10b: {  	v1 =	vld [tilespmem:s31+$0x0];
	_ =	sdelay $0x6  }
0x10c: {  	v2 =	vld [tilespmem:s4+$0x0]  }
0x10d: {  	v1 =	vld.idx.msk [tilespmem:v1+s24+$0x0], $0xffff  }
0x10e: {  	s1 =	sadd.s32 $0x10, s1  }
0x10f: {  	p0 =	slt.u32 s1, $0x1760  }
.Ltmp6:
0x110: {  	_ = 	snop;
	(pc) =	sbr.rel @p0 .LBB2_14-.Ltmp6, $3  }
0x111: {  	_ = 	snop  }
0x112: {  	v1 =	vmul.f32 v1, v2;
	_ =	sdelay $0x1  }
0x113: {  	s4 =	sadd.s32 $0x10, s4;
	s31 =	sadd.s32 $0x10, s31;
	[tilespmem:s18+$0x0] =	vst v1;
	s18 =	sadd.s32 $0x10, s18  }
0x114: {  	s1 =	simm.s32 $0x5DC0;
	s19 =	simm.s32 $0x17E0  }
0x115: {  	[spmem:s2] =	stream.indirect.scatter.add.f32 [tilespmem:s1], [sflag:$0x2], $0x1, s21, s30, $0xb8;
	[tilespmem:$0xF750] =	vst v63  }
0x116: {  	v1 =	vld [tilespmem:s19+$0x0]  }
0x117: {  	v2 =	vld [tilespmem:s19+$0xFFFFFFA0]  }
0x118: {  	v3 =	vld [tilespmem:s19+$0xFFFFFFB0]  }
0x119: {  	v4 =	vld [tilespmem:s19+$0xFFFFFFC0]  }
0x11a: {  	v6 =	vld [tilespmem:s19+$0xFFFFFFD0]  }
0x11b: {  	v7 =	vld [tilespmem:s19+$0xFFFFFFE0]  }
0x11c: {  	v8 =	vld [tilespmem:s19+$0xFFFFFFF0]  }
0x11d: {  	s5 =	simm.s32 $0x3EF0;
	v9 =	vld [tilespmem:s19+$0xFFFFFF90]  }
0x11e: {  	v12 =	vld [tilespmem:s5+$0x0]  }
0x11f: {  	v14 =	vld [tilespmem:s5+$0xFFFFFF90]  }
0x120: {  	v15 =	vld [tilespmem:s5+$0xFFFFFFA0]  }
0x121: {  	v10 =	vld [tilespmem:s5+$0xFFFFFFB0]  }
0x122: {  	v11 =	vld.idx.msk [tilespmem:v1+s24+$0x0], $0xffff  }
0x123: {  	v13 =	vld.idx.msk [tilespmem:v2+s24+$0x0], $0xffff  }
0x124: {  	v5 =	vld.idx.msk [tilespmem:v3+s24+$0x0], $0xffff  }
0x125: {  	v4 =	vld.idx.msk [tilespmem:v4+s24+$0x0], $0xffff  }
0x126: {  	v3 =	vld.idx.msk [tilespmem:v6+s24+$0x0], $0xffff  }
0x127: {  	v9 =	vld.idx.msk [tilespmem:v9+s24+$0x0], $0xffff  }
0x128: {  	v1 =	vld.idx.msk [tilespmem:v7+s24+$0x0], $0xffff  }
0x129: {  	v2 =	vld.idx.msk [tilespmem:v8+s24+$0x0], $0xffff  }
0x12a: {  	v7 =	vld [tilespmem:s5+$0xFFFFFFC0]  }
0x12b: {  	s6 =	simm.s32 $0x6600;
	v6 =	vld [tilespmem:s5+$0xFFFFFFD0];
	v11 =	vmul.f32 v11, v12  }
0x12c: {  	s7 =	simm.s32 $0x1770;
	s31 =	simm.s32 $0x1EF0;
	s18 =	simm.s32 $0x6D10;
	v8 =	vld [tilespmem:s5+$0xFFFFFFE0];
	v12 =	vmul.f32 v9, v14  }
0x12d: {  	s4 =	simm.s32 $0x4600;
	s1 =	simm.s32 $0x1EE0;
	s19 =	simm.s32 $0x1860;
	v9 =	vld [tilespmem:s5+$0xFFFFFFF0];
	[tilespmem:s6+$0x0] =	vst v11;
	v11 =	vmul.f32 v13, v15  }
.LBB2_16:
0x12e: {  	v13 =	vld [tilespmem:s19+$0x0];
	s7 =	sadd.s32 $0x80, s7;
	[tilespmem:s6+$0xFFFFFF90] =	vst v12;
	v5 =	vmul.f32 v5, v10  }
0x12f: {  	v10 =	vld [tilespmem:s19+$0xFFFFFFA0];
	p0 =	slt.u32 s7, $0x1E70;
	[tilespmem:s6+$0xFFFFFFA0] =	vst v11;
	v4 =	vmul.f32 v4, v7  }
0x130: {  	v7 =	vld [tilespmem:s19+$0xFFFFFFB0];
	[tilespmem:s6+$0xFFFFFFB0] =	vst v5;
	v3 =	vmul.f32 v3, v6  }
0x131: {  	v6 =	vld [tilespmem:s19+$0xFFFFFFC0];
	[tilespmem:s6+$0xFFFFFFC0] =	vst v4;
	v1 =	vmul.f32 v1, v8  }
0x132: {  	v8 =	vld [tilespmem:s19+$0xFFFFFFD0];
	[tilespmem:s6+$0xFFFFFFD0] =	vst v3;
	v2 =	vmul.f32 v2, v9  }
0x133: {  	v9 =	vld [tilespmem:s19+$0xFFFFFFE0];
	[tilespmem:s6+$0xFFFFFFE0] =	vst v1  }
0x134: {  	v11 =	vld [tilespmem:s19+$0xFFFFFFF0];
	[tilespmem:s6+$0xFFFFFFF0] =	vst v2  }
0x135: {  	v2 =	vld [tilespmem:s19+$0xFFFFFF90]  }
0x136: {  	s5 =	sadd.s32 $0x80, s5;
	v12 =	vld.idx.msk [tilespmem:v13+s24+$0x0], $0xffff  }
0x137: {  	v13 =	vld [tilespmem:s5+$0x0]  }
0x138: {  	v14 =	vld.idx.msk [tilespmem:v10+s24+$0x0], $0xffff  }
0x139: {  	v5 =	vld.idx.msk [tilespmem:v7+s24+$0x0], $0xffff  }
0x13a: {  	v4 =	vld.idx.msk [tilespmem:v6+s24+$0x0], $0xffff  }
0x13b: {  	v3 =	vld.idx.msk [tilespmem:v8+s24+$0x0], $0xffff  }
0x13c: {  	v1 =	vld.idx.msk [tilespmem:v9+s24+$0x0], $0xffff;
	v6 =	vmul.f32 v12, v13  }
0x13d: {  	s6 =	sadd.s32 $0x80, s6;
	v8 =	vld.idx.msk [tilespmem:v2+s24+$0x0], $0xffff  }
0x13e: {  	v2 =	vld.idx.msk [tilespmem:v11+s24+$0x0], $0xffff;
	[tilespmem:s6+$0x0] =	vst v6  }
0x13f: {  	v9 =	vld [tilespmem:s5+$0xFFFFFF90]  }
0x140: {  	v11 =	vld [tilespmem:s5+$0xFFFFFFA0]  }
.Ltmp7:
0x141: {  	v10 =	vld [tilespmem:s5+$0xFFFFFFB0];
	(pc) =	sbr.rel @p0 .LBB2_16-.Ltmp7, $4  }
0x142: {  	v7 =	vld [tilespmem:s5+$0xFFFFFFC0]  }
0x143: {  	v6 =	vld [tilespmem:s5+$0xFFFFFFD0]  }
0x144: {  	v12 =	vmul.f32 v8, v9;
	v8 =	vld [tilespmem:s5+$0xFFFFFFE0]  }
0x145: {  	s19 =	sadd.s32 $0x80, s19;
	v11 =	vmul.f32 v14, v11;
	v9 =	vld [tilespmem:s5+$0xFFFFFFF0]  }
0x146: {  	[tilespmem:s6+$0xFFFFFF90] =	vst v12;
	v5 =	vmul.f32 v5, v10  }
0x147: {  	[tilespmem:s6+$0xFFFFFFA0] =	vst v11;
	v4 =	vmul.f32 v4, v7  }
0x148: {  	[tilespmem:s6+$0xFFFFFFB0] =	vst v5;
	v3 =	vmul.f32 v3, v6  }
0x149: {  	[tilespmem:s6+$0xFFFFFFC0] =	vst v4;
	v1 =	vmul.f32 v1, v8  }
0x14a: {  	[tilespmem:s6+$0xFFFFFFD0] =	vst v3;
	v2 =	vmul.f32 v2, v9  }
0x14b: {  	[tilespmem:s6+$0xFFFFFFE0] =	vst v1  }
0x14c: {  	[tilespmem:s6+$0xFFFFFFF0] =	vst v2  }
.LBB2_18:
0x14d: {  	v1 =	vld [tilespmem:s31+$0x0];
	_ =	sdelay $0x6  }
0x14e: {  	v2 =	vld [tilespmem:s4+$0x0]  }
0x14f: {  	v1 =	vld.idx.msk [tilespmem:v1+s24+$0x0], $0xffff  }
0x150: {  	s1 =	sadd.s32 $0x10, s1  }
0x151: {  	p0 =	slt.u32 s1, $0x1F30  }
.Ltmp8:
0x152: {  	_ = 	snop;
	(pc) =	sbr.rel @p0 .LBB2_18-.Ltmp8, $3  }
0x153: {  	_ = 	snop  }
0x154: {  	v1 =	vmul.f32 v1, v2;
	_ =	sdelay $0x1  }
0x155: {  	s4 =	sadd.s32 $0x10, s4;
	s31 =	sadd.s32 $0x10, s31;
	[tilespmem:s18+$0x0] =	vst v1;
	s18 =	sadd.s32 $0x10, s18  }
0x156: {  	s1 =	simm.s32 $0x6590;
	s19 =	simm.s32 $0x1FB0  }
0x157: {  	[spmem:s2] =	stream.indirect.scatter.add.f32 [tilespmem:s1], [sflag:$0x2], $0x1, s22, s30, $0xb8;
	[tilespmem:$0xF750] =	vst v63  }
0x158: {  	v1 =	vld [tilespmem:s19+$0x0]  }
0x159: {  	v2 =	vld [tilespmem:s19+$0xFFFFFFA0]  }
0x15a: {  	v3 =	vld [tilespmem:s19+$0xFFFFFFB0]  }
0x15b: {  	v4 =	vld [tilespmem:s19+$0xFFFFFFC0]  }
0x15c: {  	v6 =	vld [tilespmem:s19+$0xFFFFFFD0]  }
0x15d: {  	v7 =	vld [tilespmem:s19+$0xFFFFFFE0]  }
0x15e: {  	v8 =	vld [tilespmem:s19+$0xFFFFFFF0]  }
0x15f: {  	s5 =	simm.s32 $0x46C0;
	v9 =	vld [tilespmem:s19+$0xFFFFFF90]  }
0x160: {  	v12 =	vld [tilespmem:s5+$0x0]  }
0x161: {  	v14 =	vld [tilespmem:s5+$0xFFFFFF90]  }
0x162: {  	v15 =	vld [tilespmem:s5+$0xFFFFFFA0]  }
0x163: {  	v10 =	vld [tilespmem:s5+$0xFFFFFFB0]  }
0x164: {  	v11 =	vld.idx.msk [tilespmem:v1+s24+$0x0], $0xffff  }
0x165: {  	v13 =	vld.idx.msk [tilespmem:v2+s24+$0x0], $0xffff  }
0x166: {  	v5 =	vld.idx.msk [tilespmem:v3+s24+$0x0], $0xffff  }
0x167: {  	v4 =	vld.idx.msk [tilespmem:v4+s24+$0x0], $0xffff  }
0x168: {  	v3 =	vld.idx.msk [tilespmem:v6+s24+$0x0], $0xffff  }
0x169: {  	v9 =	vld.idx.msk [tilespmem:v9+s24+$0x0], $0xffff  }
0x16a: {  	v1 =	vld.idx.msk [tilespmem:v7+s24+$0x0], $0xffff  }
0x16b: {  	v2 =	vld.idx.msk [tilespmem:v8+s24+$0x0], $0xffff  }
0x16c: {  	v7 =	vld [tilespmem:s5+$0xFFFFFFC0]  }
0x16d: {  	s6 =	simm.s32 $0x6DD0;
	v6 =	vld [tilespmem:s5+$0xFFFFFFD0];
	v11 =	vmul.f32 v11, v12  }
0x16e: {  	s7 =	simm.s32 $0x1F40;
	s31 =	simm.s32 $0x26C0;
	s18 =	simm.s32 $0x74E0;
	v8 =	vld [tilespmem:s5+$0xFFFFFFE0];
	v12 =	vmul.f32 v9, v14  }
0x16f: {  	s4 =	simm.s32 $0x4DD0;
	s1 =	simm.s32 $0x26B0;
	s19 =	simm.s32 $0x2030;
	v9 =	vld [tilespmem:s5+$0xFFFFFFF0];
	[tilespmem:s6+$0x0] =	vst v11;
	v11 =	vmul.f32 v13, v15  }
.LBB2_20:
0x170: {  	v13 =	vld [tilespmem:s19+$0x0];
	s7 =	sadd.s32 $0x80, s7;
	[tilespmem:s6+$0xFFFFFF90] =	vst v12;
	v5 =	vmul.f32 v5, v10  }
0x171: {  	v10 =	vld [tilespmem:s19+$0xFFFFFFA0];
	p0 =	slt.u32 s7, $0x2640;
	[tilespmem:s6+$0xFFFFFFA0] =	vst v11;
	v4 =	vmul.f32 v4, v7  }
0x172: {  	v7 =	vld [tilespmem:s19+$0xFFFFFFB0];
	[tilespmem:s6+$0xFFFFFFB0] =	vst v5;
	v3 =	vmul.f32 v3, v6  }
0x173: {  	v6 =	vld [tilespmem:s19+$0xFFFFFFC0];
	[tilespmem:s6+$0xFFFFFFC0] =	vst v4;
	v1 =	vmul.f32 v1, v8  }
0x174: {  	v8 =	vld [tilespmem:s19+$0xFFFFFFD0];
	[tilespmem:s6+$0xFFFFFFD0] =	vst v3;
	v2 =	vmul.f32 v2, v9  }
0x175: {  	v9 =	vld [tilespmem:s19+$0xFFFFFFE0];
	[tilespmem:s6+$0xFFFFFFE0] =	vst v1  }
0x176: {  	v11 =	vld [tilespmem:s19+$0xFFFFFFF0];
	[tilespmem:s6+$0xFFFFFFF0] =	vst v2  }
0x177: {  	v2 =	vld [tilespmem:s19+$0xFFFFFF90]  }
0x178: {  	s5 =	sadd.s32 $0x80, s5;
	v12 =	vld.idx.msk [tilespmem:v13+s24+$0x0], $0xffff  }
0x179: {  	v13 =	vld [tilespmem:s5+$0x0]  }
0x17a: {  	v14 =	vld.idx.msk [tilespmem:v10+s24+$0x0], $0xffff  }
0x17b: {  	v5 =	vld.idx.msk [tilespmem:v7+s24+$0x0], $0xffff  }
0x17c: {  	v4 =	vld.idx.msk [tilespmem:v6+s24+$0x0], $0xffff  }
0x17d: {  	v3 =	vld.idx.msk [tilespmem:v8+s24+$0x0], $0xffff  }
0x17e: {  	v1 =	vld.idx.msk [tilespmem:v9+s24+$0x0], $0xffff;
	v6 =	vmul.f32 v12, v13  }
0x17f: {  	s6 =	sadd.s32 $0x80, s6;
	v8 =	vld.idx.msk [tilespmem:v2+s24+$0x0], $0xffff  }
0x180: {  	v2 =	vld.idx.msk [tilespmem:v11+s24+$0x0], $0xffff;
	[tilespmem:s6+$0x0] =	vst v6  }
0x181: {  	v9 =	vld [tilespmem:s5+$0xFFFFFF90]  }
0x182: {  	v11 =	vld [tilespmem:s5+$0xFFFFFFA0]  }
.Ltmp9:
0x183: {  	v10 =	vld [tilespmem:s5+$0xFFFFFFB0];
	(pc) =	sbr.rel @p0 .LBB2_20-.Ltmp9, $4  }
0x184: {  	v7 =	vld [tilespmem:s5+$0xFFFFFFC0]  }
0x185: {  	v6 =	vld [tilespmem:s5+$0xFFFFFFD0]  }
0x186: {  	v12 =	vmul.f32 v8, v9;
	v8 =	vld [tilespmem:s5+$0xFFFFFFE0]  }
0x187: {  	s19 =	sadd.s32 $0x80, s19;
	v11 =	vmul.f32 v14, v11;
	v9 =	vld [tilespmem:s5+$0xFFFFFFF0]  }
0x188: {  	[tilespmem:s6+$0xFFFFFF90] =	vst v12;
	v5 =	vmul.f32 v5, v10  }
0x189: {  	[tilespmem:s6+$0xFFFFFFA0] =	vst v11;
	v4 =	vmul.f32 v4, v7  }
0x18a: {  	[tilespmem:s6+$0xFFFFFFB0] =	vst v5;
	v3 =	vmul.f32 v3, v6  }
0x18b: {  	[tilespmem:s6+$0xFFFFFFC0] =	vst v4;
	v1 =	vmul.f32 v1, v8  }
0x18c: {  	[tilespmem:s6+$0xFFFFFFD0] =	vst v3;
	v2 =	vmul.f32 v2, v9  }
0x18d: {  	[tilespmem:s6+$0xFFFFFFE0] =	vst v1  }
0x18e: {  	[tilespmem:s6+$0xFFFFFFF0] =	vst v2  }
.LBB2_22:
0x18f: {  	v1 =	vld [tilespmem:s31+$0x0];
	_ =	sdelay $0x6  }
0x190: {  	v2 =	vld [tilespmem:s4+$0x0]  }
0x191: {  	v1 =	vld.idx.msk [tilespmem:v1+s24+$0x0], $0xffff  }
0x192: {  	s1 =	sadd.s32 $0x10, s1  }
0x193: {  	p0 =	slt.u32 s1, $0x2700  }
.Ltmp10:
0x194: {  	_ = 	snop;
	(pc) =	sbr.rel @p0 .LBB2_22-.Ltmp10, $3  }
0x195: {  	_ = 	snop  }
0x196: {  	v1 =	vmul.f32 v1, v2;
	_ =	sdelay $0x1  }
0x197: {  	s4 =	sadd.s32 $0x10, s4;
	s31 =	sadd.s32 $0x10, s31;
	[tilespmem:s18+$0x0] =	vst v1;
	s18 =	sadd.s32 $0x10, s18  }
0x198: {  	s1 =	simm.s32 $0x6D60  }
0x199: {  	[spmem:s2] =	stream.indirect.scatter.add.f32 [tilespmem:s1], [sflag:$0x2], $0x1, s23, s30, $0xb8;
	[tilespmem:$0xF750] =	vst v63  }
0x19a: {  	_ =	swait.ge [sflag:s28], $0x7D0  }
0x19b: {  	[sflag:s28] =	ssyncset.done $0x0  }
0x19c: {  	[sflag:s28] =	ssyncadd.s32 $0xFFFFF830  }
0x19d: {  	_ =	swait.ge [sflag:s28], $0x7D0  }
0x19e: {  	[sflag:s28] =	ssyncset.done $0x0  }
0x19f: {  	[sflag:s28] =	ssyncadd.s32 $0xFFFFF830  }
0x1a0: {  	_ =	swait.ge [sflag:s28], $0x7D0  }
0x1a1: {  	[sflag:s28] =	ssyncset.done $0x0  }
0x1a2: {  	[sflag:s28] =	ssyncadd.s32 $0xFFFFF830  }
0x1a3: {  	_ =	swait.ge [sflag:s28], $0x7D0  }
0x1a4: {  	[sflag:s28] =	ssyncset.done $0x0  }
0x1a5: {  	[sflag:s28] =	ssyncadd.s32 $0xFFFFF830  }
0x1a6: {  	_ =	swait.ge [sflag:s28], $0x7D0  }
0x1a7: {  	[sflag:s28] =	ssyncset.done $0x0  }
0x1a8: {  	[sflag:s28] =	ssyncadd.s32 $0xFFFFF830  }
0x1a9: {  	s7 =	simm.s32 $0xEEC0;
	[bflag:$0x0] =	sbarrier.arrive $0xFFFF  }
0x1aa: {  	[tilespmem:s7], [sflag:$0x1] =	stream.linear.gather [hbm4b:s14+s3], $0x200, $0x38;
	[tilespmem:$0xF750] =	vst v63  }
0x1ab: {  	s18 =	simm.s32 $0xF0C0  }
0x1ac: {  	[tilespmem:s18], [sflag:$0x1] =	stream.linear.gather [hbm4b:s15+s3], $0x200, $0x38;
	[tilespmem:$0xF750] =	vst v63  }
0x1ad: {  	_ = 	snop  }
0x1ae: {  	[tilespmem:s0], [sflag:$0x3] =	stream.linear.gather [spmem:s2], $0x2800, $0x38;
	[tilespmem:$0xF750] =	vst v63  }
0x1af: {  	_ =	swait.ge [sflag:s29], $0x2800  }
0x1b0: {  	[sflag:s29] =	ssyncset.done $0x0  }
0x1b1: {  	[sflag:s29] =	ssyncadd.s32 $0xFFFFD800  }
0x1b2: {  	_ =	swait.ge [sflag:s26], $0x200  }
0x1b3: {  	[sflag:s26] =	ssyncset.done $0x0  }
0x1b4: {  	[sflag:s26] =	ssyncadd.s32 $0xFFFFFE00  }
0x1b5: {  	_ =	swait.ge [sflag:s26], $0x200  }
0x1b6: {  	[sflag:s26] =	ssyncset.done $0x0  }
0x1b7: {  	[sflag:s26] =	ssyncadd.s32 $0xFFFFFE00  }
0x1b8: {  	s19 =	simm.s32 $0xEEE0;
	v1 =	vld [tilespmem:$0xF4C0]  }
0x1b9: {  	s4 =	simm.s32 $0xF0E0;
	v2 =	vld [tilespmem:s19+$0x10]  }
0x1ba: {  	v3 =	vld [tilespmem:s4+$0x10]  }
0x1bb: {  	v4 =	vld [tilespmem:s4+$0xFFFFFFE0]  }
0x1bc: {  	v5 =	vld [tilespmem:s19+$0xFFFFFFF0]  }
0x1bd: {  	v6 =	vld [tilespmem:s4+$0xFFFFFFF0]  }
0x1be: {  	v7 =	vld [tilespmem:s19+$0x0]  }
0x1bf: {  	v8 =	vld [tilespmem:s4+$0x0]  }
0x1c0: {  	s31 =	simm.s32 $0xEF20;
	v9 =	vld [tilespmem:s19+$0xFFFFFFE0]  }
0x1c1: {  	s1 =	simm.s32 $0xF120;
	v10 =	vld [tilespmem:s31+$0x10]  }
0x1c2: {  	v11 =	vld [tilespmem:s1+$0x10]  }
0x1c3: {  	v12 =	vld [tilespmem:s1+$0xFFFFFFE0]  }
0x1c4: {  	v13 =	vld [tilespmem:s31+$0xFFFFFFF0]  }
0x1c5: {  	v14 =	vld [tilespmem:s1+$0xFFFFFFF0]  }
0x1c6: {  	v2 =	vld.idx.msk [tilespmem:v2+s0+$0x0], $0xffff  }
0x1c7: {  	v3 =	vld.idx.msk [tilespmem:v3+s0+$0x0], $0xffff  }
0x1c8: {  	v4 =	vld.idx.msk [tilespmem:v4+s0+$0x0], $0xffff  }
0x1c9: {  	v5 =	vld.idx.msk [tilespmem:v5+s0+$0x0], $0xffff  }
0x1ca: {  	v6 =	vld.idx.msk [tilespmem:v6+s0+$0x0], $0xffff  }
0x1cb: {  	v7 =	vld.idx.msk [tilespmem:v7+s0+$0x0], $0xffff  }
0x1cc: {  	v8 =	vld.idx.msk [tilespmem:v8+s0+$0x0], $0xffff  }
0x1cd: {  	v9 =	vld.idx.msk [tilespmem:v9+s0+$0x0], $0xffff  }
0x1ce: {  	v15 =	vld [tilespmem:s31+$0x0]  }
0x1cf: {  	v16 =	vld [tilespmem:s1+$0x0];
	v2 =	vadd.f32 v3, v2  }
0x1d0: {  	v3 =	vadd.f32 v6, v5;
	v5 =	vld [tilespmem:s31+$0xFFFFFFE0]  }
0x1d1: {  	v1 =	vmul.f32 $5.000000000e-01, v1;
	v6 =	vadd.f32 v8, v7;
	v8 =	vld.idx.msk [tilespmem:v10+s0+$0x0], $0xffff;
	v2 =	vmul.f32 $5.000000000e-01, v2  }
0x1d2: {  	v4 =	vadd.f32 v4, v9;
	v9 =	vld.idx.msk [tilespmem:v11+s0+$0x0], $0xffff;
	v3 =	vmul.f32 $5.000000000e-01, v3  }
0x1d3: {  	v6 =	vmul.f32 $5.000000000e-01, v6;
	v7 =	vadd.f32 v2, v1;
	v2 =	vld.idx.msk [tilespmem:v12+s0+$0x0], $0xffff  }
0x1d4: {  	s4 =	simm.s32 $0xF2E0;
	v4 =	vmul.f32 $5.000000000e-01, v4;
	v10 =	vadd.f32 v3, v1;
	v3 =	vld.idx.msk [tilespmem:v13+s0+$0x0], $0xffff  }
0x1d5: {  	[tilespmem:s4+$0x10] =	vst v7;
	v7 =	vadd.f32 v6, v1;
	v6 =	vld.idx.msk [tilespmem:v14+s0+$0x0], $0xffff  }
0x1d6: {  	[tilespmem:s4+$0xFFFFFFF0] =	vst v10;
	v10 =	vadd.f32 v4, v1;
	v4 =	vld.idx.msk [tilespmem:v15+s0+$0x0], $0xffff  }
0x1d7: {  	[tilespmem:s4+$0x0] =	vst v7;
	v7 =	vld.idx.msk [tilespmem:v16+s0+$0x0], $0xffff  }
0x1d8: {  	s5 =	simm.s32 $0x40;
	s6 =	simm.s32 $0xEF60;
	v8 =	vadd.f32 v9, v8;
	[tilespmem:s4+$0xFFFFFFE0] =	vst v10;
	v5 =	vld.idx.msk [tilespmem:v5+s0+$0x0], $0xffff  }
.LBB2_24:
0x1d9: {  	v9 =	vld [tilespmem:s6+$0x10];
	s1 =	sadd.s32 $0x40, s1  }
0x1da: {  	s5 =	sadd.s32 $0x40, s5;
	v10 =	vld [tilespmem:s1+$0x10];
	v8 =	vmul.f32 $5.000000000e-01, v8  }
0x1db: {  	p0 =	slt.u32 s5, $0x1C0;
	v3 =	vadd.f32 v6, v3;
	v11 =	vld [tilespmem:s1+$0xFFFFFFE0]  }
0x1dc: {  	v6 =	vld [tilespmem:s6+$0xFFFFFFF0];
	v8 =	vadd.f32 v8, v1  }
0x1dd: {  	s4 =	sadd.s32 $0x40, s4;
	v3 =	vmul.f32 $5.000000000e-01, v3;
	v4 =	vadd.f32 v7, v4;
	v12 =	vld [tilespmem:s1+$0xFFFFFFF0]  }
0x1de: {  	v2 =	vadd.f32 v2, v5;
	v7 =	vld [tilespmem:s6+$0x0];
	[tilespmem:s4+$0x10] =	vst v8  }
0x1df: {  	v3 =	vadd.f32 v3, v1;
	v4 =	vmul.f32 $5.000000000e-01, v4;
	v5 =	vld [tilespmem:s1+$0x0]  }
0x1e0: {  	v2 =	vmul.f32 $5.000000000e-01, v2;
	v8 =	vld [tilespmem:s6+$0xFFFFFFE0]  }
0x1e1: {  	v9 =	vld.idx.msk [tilespmem:v9+s0+$0x0], $0xffff;
	[tilespmem:s4+$0xFFFFFFF0] =	vst v3;
	v3 =	vadd.f32 v4, v1  }
0x1e2: {  	v4 =	vadd.f32 v2, v1;
	v10 =	vld.idx.msk [tilespmem:v10+s0+$0x0], $0xffff  }
0x1e3: {  	v2 =	vld.idx.msk [tilespmem:v11+s0+$0x0], $0xffff;
	[tilespmem:s4+$0x0] =	vst v3  }
.Ltmp11:
0x1e4: {  	v3 =	vld.idx.msk [tilespmem:v6+s0+$0x0], $0xffff;
	[tilespmem:s4+$0xFFFFFFE0] =	vst v4;
	(pc) =	sbr.rel @p0 .LBB2_24-.Ltmp11, $4  }
0x1e5: {  	v6 =	vld.idx.msk [tilespmem:v12+s0+$0x0], $0xffff  }
0x1e6: {  	v4 =	vld.idx.msk [tilespmem:v7+s0+$0x0], $0xffff  }
0x1e7: {  	v7 =	vld.idx.msk [tilespmem:v5+s0+$0x0], $0xffff  }
0x1e8: {  	s6 =	sadd.s32 $0x40, s6;
	v5 =	vld.idx.msk [tilespmem:v8+s0+$0x0], $0xffff;
	v8 =	vadd.f32 v10, v9  }
0x1e9: {  	_ =	sdelay $0x1  }
0x1ea: {  	v3 =	vadd.f32 v6, v3  }
0x1eb: {  	v62 =	vmul.f32 $5.000000000e-01, v8;
	v4 =	vadd.f32 v7, v4  }
0x1ec: {  	v3 =	vmul.f32 $5.000000000e-01, v3;
	v2 =	vadd.f32 v2, v5  }
0x1ed: {  	v63 =	vadd.f32 v62, v1;
	v4 =	vmul.f32 $5.000000000e-01, v4  }
0x1ee: {  	s1 =	sadd.s32 $0x40, s4;
	v3 =	vadd.f32 v3, v1;
	v2 =	vmul.f32 $5.000000000e-01, v2  }
0x1ef: {  	[tilespmem:s1+$0x10] =	vst v63;
	v4 =	vadd.f32 v4, v1  }
0x1f0: {  	s25 =	sadd.s32 $0x1, s25;
	[tilespmem:s1+$0xFFFFFFF0] =	vst v3;
	v1 =	vadd.f32 v2, v1  }
0x1f1: {  	p0 =	sne.s32 s25, s17;
	[tilespmem:s1+$0x0] =	vst v4  }
.Ltmp12:
0x1f2: {  	s31 =	simm.s32 $0xF2C0;
	[tilespmem:s1+$0xFFFFFFE0] =	vst v1;
	(pc) =	sbr.rel @p0 .LBB2_1-.Ltmp12, $4  }
0x1f3: {  	[hbm4b:s16+s3] =	stream.linear.scatter [tilespmem:s31], [sflag:$0x3], $0x200, $0x38;
	[tilespmem:$0xF750] =	vst v63  }
0x1f4: {  	_ =	swait.ge [sflag:s29], $0x200  }
0x1f5: {  	[sflag:s29] =	ssyncset.done $0x0  }
0x1f6: {  	[sflag:s29] =	ssyncadd.s32 $0xFFFFFE00  }
0x1f7: {  	_ =	sfence.sel $0x180000  }
0x1f8: {  	[bflag:$0x0] =	sbarrier.arrive $0xFFFF  }
0x1f9: {  	_ =	strace $0x90000047  }
0x1fa: {  	s0 =	stileid.u32;
	[bflag:$0x2] =	sbarrier.arrive $0xFFFF  }
0x1fb: {  	p0 =	sne.s32 s0, $0x0;
	s0 =	rddreg [dreg:$0x4]  }
0x1fc: {  	s0 =	sadd.s32 @!p0 $0x100000, s0  }
0x1fd: {  	[sflag:s0] =	ssyncadd.tile.s32 @!p0 $0x1;
	_ =	shalt  }
.Lfunc_end2:
_tile_overlayer_lowered:
.L_overlay_start_2:
0x1fe: {  	(tag) =	ssettag $0x2  }
0x1ff: {  	s0 =	rddreg [dreg:$0x0];
	s2 =	stileid.u32  }
0x200: {  	s1 =	rddreg [dreg:$0x1];
	p0 =	sne.s32 s2, $0x0  }
0x201: {  	s3 =	rddreg [dreg:$0x2];
	[bflag:$0x3] =	sbarrier.arrive $0xFFFF;
	s2 =	simm.s32 @!p0 $0x1C03  }
0x202: {  	[timem:s3], [sflag:s2] =	dma.local @!p0 [hbm:s0], s1  }
0x203: {  	s0 =	simm.s32 @!p0 $0x3  }
0x204: {  	_ =	swait.ge @!p0 [sflag:s0], s1  }
0x205: {  	s1 =	ssub.s32 @!p0 $0x0, s1;
	[sflag:s0] =	ssyncset.done @!p0 $0x0  }
0x206: {  	[sflag:s0] =	ssyncadd.s32 @!p0 s1  }
0x207: {  	[bflag:$0x3] =	sbarrier.arrive $0xFFFF  }
0x208: {  	_ =	shalt  }

</sc_bundles>
